<compile_context>
chip_gen: v7x
topology: tpu7x:2x2x1
jax: 0.10.2.dev20260603
libtpu: 0.0.44.dev20260713+nightly
codegen_flags: <defaults>
</compile_context>

<pallas_src>
import functools

import jax
import jax.numpy as jnp
from jax import lax
from jax.experimental import pallas as pl
from jax.experimental.pallas import tpu as pltpu
from jax.experimental.pallas import tpu_sc as plsc

N = 10000
D = 128
E = 320000

NC = 2
NS = 16

N_PAD = 10240
E_PAD = 327680
N_PER_TILE = N_PAD // NS

KC = 128
CROWS = E_PAD // KC
CPT = CROWS // (NC * NS)
PH = 2
K = 128
ROWS = E_PAD // K
ROWS_PER_TILE = ROWS // (NC * NS)


def _make_deg_kernel():
  mesh = plsc.VectorSubcoreMesh(core_axis_name="c", subcore_axis_name="s",
                                num_cores=NC, num_subcores=NS)

  @functools.partial(
      pl.kernel,
      out_type=jax.ShapeDtypeStruct((NC, N_PAD, 16), jnp.float32),
      mesh=mesh,
      scratch_types=[
          pltpu.VMEM((ROWS_PER_TILE, K), jnp.int32),
          pltpu.VMEM((K,), jnp.float32),
          pltpu.VMEM((N_PER_TILE + 16,), jnp.float32),
          pltpu.VMEM((N_PER_TILE, 16), jnp.float32),
          pltpu.VMEM_SHARED((N_PAD,), jnp.float32),
          pltpu.SemaphoreType.DMA,
      ],
  )
  def deg_kernel(ei_hbm, out_hbm, idx_v, ones_v, zeros_v, stage_v, deg_sh,
                 dsem):
    cid = lax.axis_index("c")
    sid = lax.axis_index("s")

    @pl.loop(0, N_PER_TILE // 16 + 1)
    def _zero(i):
      zeros_v[pl.ds(i * 16, 16)] = jnp.zeros((16,), jnp.float32)

    @pl.loop(0, K // 16)
    def _one(i):
      ones_v[pl.ds(i * 16, 16)] = jnp.ones((16,), jnp.float32)

    pltpu.sync_copy(zeros_v.at[pl.ds(0, N_PER_TILE)],
                    deg_sh.at[pl.ds(sid * N_PER_TILE, N_PER_TILE)])
    plsc.subcore_barrier()

    row_base = (cid * NS + sid) * ROWS_PER_TILE
    pltpu.sync_copy(ei_hbm.at[1, pl.ds(row_base, ROWS_PER_TILE)], idx_v)

    @pl.loop(0, ROWS_PER_TILE // 16)
    def _scatter(b):
      for j in range(16):
        pltpu.async_copy(ones_v, deg_sh.at[idx_v.at[b * 16 + j]], dsem,
                         add=True)
      for j in range(16):
        pltpu.make_async_copy(ones_v, deg_sh.at[idx_v.at[0]], dsem).wait()

    plsc.subcore_barrier()

    base = sid * N_PER_TILE
    pltpu.sync_copy(deg_sh.at[pl.ds(base, N_PER_TILE)],
                    zeros_v.at[pl.ds(0, N_PER_TILE)])

    @pl.loop(0, N_PER_TILE)
    def _w(r):
      stage_v[r, pl.ds(0, 16)] = zeros_v[pl.ds(r, 16)]

    pltpu.sync_copy(stage_v, out_hbm.at[cid, pl.ds(base, N_PER_TILE)])

  return deg_kernel


def _make_agg_kernel():
  mesh = plsc.VectorSubcoreMesh(core_axis_name="c", subcore_axis_name="s",
                                num_cores=NC, num_subcores=NS)

  @functools.partial(
      pl.kernel,
      out_type=jax.ShapeDtypeStruct((NC, N_PAD, D), jnp.float32),
      mesh=mesh,
      scratch_types=[
          pltpu.VMEM((CPT // PH, KC), jnp.int32),
          pltpu.VMEM((CPT // PH, KC), jnp.int32),
          pltpu.VMEM((KC, D), jnp.float32),
          pltpu.VMEM((KC, D), jnp.float32),
          pltpu.VMEM((16, D), jnp.float32),
          pltpu.VMEM_SHARED((N_PAD, D), jnp.float32),
          pltpu.SemaphoreType.DMA,
          pltpu.SemaphoreType.DMA,
          pltpu.SemaphoreType.DMA,
      ],
  )
  def agg_kernel(ei_hbm, mp_hbm, out_hbm,
                 sidx_v, didx_v, rows0_v, rows1_v, zeros_v, acc_sh,
                 gsem0, gsem1, zsem):
    cid = lax.axis_index("c")
    sid = lax.axis_index("s")

    @pl.loop(0, 16)
    def _zero(r):
      for c in range(D // 16):
        zeros_v[r, pl.ds(c * 16, 16)] = jnp.zeros((16,), jnp.float32)

    @pl.loop(0, N_PER_TILE // 16 // 8)
    def _zacc(k):
      for j in range(8):
        r = sid * N_PER_TILE + (k * 8 + j) * 16
        pltpu.async_copy(zeros_v, acc_sh.at[pl.ds(r, 16)], zsem)
      for j in range(8):
        pltpu.make_async_copy(zeros_v, acc_sh.at[pl.ds(0, 16)], zsem).wait()

    plsc.subcore_barrier()

    row_base = (cid * NS + sid) * CPT
    half_rows = CPT // PH
    npairs = half_rows // 2

    for half in range(PH):
      base = row_base + half * half_rows
      pltpu.sync_copy(ei_hbm.at[0, pl.ds(base, half_rows)], sidx_v)
      pltpu.sync_copy(ei_hbm.at[1, pl.ds(base, half_rows)], didx_v)

      pltpu.async_copy(mp_hbm.at[sidx_v.at[0]], rows0_v, gsem0)
      pltpu.async_copy(mp_hbm.at[sidx_v.at[1]], rows1_v, gsem1)

      @pl.loop(0, npairs)
      def _pair(p):
        c0 = 2 * p
        pltpu.make_async_copy(mp_hbm.at[sidx_v.at[0]], rows0_v, gsem0).wait()
        pltpu.sync_copy(rows0_v, acc_sh.at[didx_v.at[c0]], add=True)

        @pl.when(p < npairs - 1)
        def _g0():
          pltpu.async_copy(mp_hbm.at[sidx_v.at[c0 + 2]], rows0_v, gsem0)

        pltpu.make_async_copy(mp_hbm.at[sidx_v.at[1]], rows1_v, gsem1).wait()
        pltpu.sync_copy(rows1_v, acc_sh.at[didx_v.at[c0 + 1]], add=True)

        @pl.when(p < npairs - 1)
        def _g1():
          pltpu.async_copy(mp_hbm.at[sidx_v.at[c0 + 3]], rows1_v, gsem1)

    plsc.subcore_barrier()

    for k in range(N_PER_TILE // K):
      r = sid * N_PER_TILE + k * K
      pltpu.async_copy(acc_sh.at[pl.ds(r, K)], out_hbm.at[cid, pl.ds(r, K)],
                       zsem)
    for k in range(N_PER_TILE // K):
      r = sid * N_PER_TILE + k * K
      pltpu.make_async_copy(acc_sh.at[pl.ds(r, K)],
                            out_hbm.at[cid, pl.ds(r, K)], zsem).wait()

  return agg_kernel


def _matmul_body(x_ref, wp_ref, bp_ref, wg_ref, m_ref):
  h = jnp.maximum(
      jnp.dot(x_ref[...], wp_ref[...], preferred_element_type=jnp.float32)
      + bp_ref[...], 0.0)
  m_ref[...] = jnp.dot(h, wg_ref[...], preferred_element_type=jnp.float32)


def _scale_body(m_ref, dega_ref, degb_ref, mp_ref, dis_ref):
  deg = dega_ref[0][:, 0:1] + degb_ref[0][:, 0:1] + 1.0
  dis = lax.rsqrt(deg)
  dis_ref[...] = dis
  mp_ref[...] = dis * m_ref[...]


def _combine_body(acc_a_ref, acc_b_ref, mp_ref, dis_ref, bg_ref, out_ref):
  out_ref[...] = (dis_ref[...]
                  * (acc_a_ref[0] + acc_b_ref[0] + mp_ref[...])
                  + bg_ref[...])


_RB = 5000


def _matmul_call(x, W_proj, b_proj, W_gcn):
  grid = N // _RB
  row_spec = pl.BlockSpec((_RB, D), lambda i: (i, 0))
  full_spec = pl.BlockSpec((D, D), lambda i: (0, 0))
  bias_spec = pl.BlockSpec((1, D), lambda i: (0, 0))
  return pl.pallas_call(
      _matmul_body,
      grid=(grid,),
      in_specs=[row_spec, full_spec, bias_spec, full_spec],
      out_specs=row_spec,
      out_shape=jax.ShapeDtypeStruct((N, D), jnp.float32),
  )(x, W_proj, b_proj.reshape(1, D), W_gcn)


def _scale_call(m, deg_p):
  grid = N // _RB
  row_spec = pl.BlockSpec((_RB, D), lambda i: (i, 0))
  col_spec = pl.BlockSpec((_RB, 1), lambda i: (i, 0))
  dega_spec = pl.BlockSpec((1, _RB, 16), lambda i: (0, i, 0))
  degb_spec = pl.BlockSpec((1, _RB, 16), lambda i: (1, i, 0))
  return pl.pallas_call(
      _scale_body,
      grid=(grid,),
      in_specs=[row_spec, dega_spec, degb_spec],
      out_specs=[row_spec, col_spec],
      out_shape=[jax.ShapeDtypeStruct((N, D), jnp.float32),
                 jax.ShapeDtypeStruct((N, 1), jnp.float32)],
  )(m, deg_p, deg_p)


def _combine_call(acc_p, mp, dis, b_gcn):
  grid = N // _RB
  row_spec = pl.BlockSpec((_RB, D), lambda i: (i, 0))
  col_spec = pl.BlockSpec((_RB, 1), lambda i: (i, 0))
  bias_spec = pl.BlockSpec((1, D), lambda i: (0, 0))
  acc_a_spec = pl.BlockSpec((1, _RB, D), lambda i: (0, i, 0))
  acc_b_spec = pl.BlockSpec((1, _RB, D), lambda i: (1, i, 0))
  return pl.pallas_call(
      _combine_body,
      grid=(grid,),
      in_specs=[acc_a_spec, acc_b_spec, row_spec, col_spec, bias_spec],
      out_specs=row_spec,
      out_shape=jax.ShapeDtypeStruct((N, D), jnp.float32),
  )(acc_p, acc_p, mp, dis, b_gcn.reshape(1, D))


def kernel(x, edge_index, W_proj, b_proj, W_gcn, b_gcn):
  ei = edge_index.astype(jnp.int32)

  pad = E_PAD - E
  pad_iota = jnp.arange(pad, dtype=jnp.int32)
  pad2 = jnp.stack([pad_iota % N, N + pad_iota % (N_PAD - N)])
  ei3 = jnp.concatenate([ei, pad2], axis=1).reshape(2, CROWS, KC)

  m = _matmul_call(x, W_proj, b_proj, W_gcn)

  deg_p = _make_deg_kernel()(ei3)

  mp, dis = _scale_call(m, deg_p)

  acc_p = _make_agg_kernel()(ei3, mp)

  return _combine_call(acc_p, mp, dis, b_gcn)

# --- scband reference (transcript-rebuilt; emitter-appended) ---
"""Pipeline reference for scband-gcnvqamodel-33122787786760 (READ-ONLY COPY).

The authoritative reference and input builder live on the scoring server;
editing this copy changes nothing except your own understanding.
"""

import jax, jax.numpy as jnp
import numpy as np

N_NODES = 10000
N_EDGES = 320000
D = 128


def setup_inputs(seed: int = 0) -> dict:
    key = jax.random.key(seed)
    k1, k2, k3, k4 = jax.random.split(key, 4)
    x = jax.random.normal(k1, (N_NODES, D), dtype=jnp.float32)
    edge_index = jax.random.randint(k2, (2, N_EDGES), 0, N_NODES, dtype=jnp.int64)
    # node_projection: Linear(D, D) + ReLU (dropout is identity at eval)
    W_proj = jax.random.normal(k3, (D, D), dtype=jnp.float32) * (1.0 / np.sqrt(D))
    b_proj = jnp.zeros((D,), dtype=jnp.float32)
    # GCNConv(D, D) weight + bias
    W_gcn = jax.random.normal(k4, (D, D), dtype=jnp.float32) * (1.0 / np.sqrt(D))
    b_gcn = jnp.zeros((D,), dtype=jnp.float32)
    return {"x": x, "edge_index": edge_index, "W_proj": W_proj, "b_proj": b_proj, "W_gcn": W_gcn, "b_gcn": b_gcn}


def reference(x, edge_index, W_proj, b_proj, W_gcn, b_gcn):
    # node_projection: Linear + ReLU (Dropout identity in eval mode)
    h = jax.nn.relu(x @ W_proj + b_proj)
    n = h.shape[0]
    # GCNConv (PyG-style): add self-loops, symmetric normalization, scatter-add aggregation
    loop = jnp.arange(n, dtype=edge_index.dtype)
    src = jnp.concatenate([edge_index[0], loop])
    dst = jnp.concatenate([edge_index[1], loop])
    ones = jnp.ones(src.shape[0], dtype=h.dtype)
    deg = jax.ops.segment_sum(ones, dst, num_segments=n)
    deg_inv_sqrt = jnp.where(deg > 0, jax.lax.rsqrt(jnp.maximum(deg, 1e-12)), 0.0)
    norm = deg_inv_sqrt[src] * deg_inv_sqrt[dst]
    m = h @ W_gcn
    msgs = norm[:, None] * jnp.take(m, src, axis=0)
    out = jnp.zeros((n, m.shape[1]), dtype=m.dtype).at[dst].add(msgs)
    out = out + b_gcn
    return out

if __name__ == "__main__":
    import jax
    _d = setup_inputs()
    print(jax.jit(kernel)(*tuple(_d.values())))

</pallas_src>

<mosaic_0001>
#map = affine_map<(d0, d1) -> (0, 0, 0)>
#map1 = affine_map<(d0, d1) -> (0, 0)>
module attributes {stable_mosaic.version = 14 : i64} {
  func.func @agg_kernel(%arg0: i32, %arg1: i32, %arg2: memref<2x2560x128xi32, #tpu.memory_space<hbm>>, %arg3: memref<10000x128xf32, #tpu.memory_space<hbm>>, %arg4: memref<2x10240x128xf32, #tpu.memory_space<hbm>>, %arg5: memref<40x128xi32, #tpu.memory_space<vmem>>, %arg6: memref<40x128xi32, #tpu.memory_space<vmem>>, %arg7: memref<128x128xf32, #tpu.memory_space<vmem>>, %arg8: memref<128x128xf32, #tpu.memory_space<vmem>>, %arg9: memref<16x128xf32, #tpu.memory_space<vmem>>, %arg10: memref<10240x128xf32, #tpu.memory_space<vmem_shared>>, %arg11: memref<!tpu.dma_semaphore, #tpu.memory_space<semaphore_mem>>, %arg12: memref<!tpu.dma_semaphore, #tpu.memory_space<semaphore_mem>>, %arg13: memref<!tpu.dma_semaphore, #tpu.memory_space<semaphore_mem>>) attributes {dimension_semantics = [#tpu.dimension_semantics<core_parallel>, #tpu.dimension_semantics<subcore_parallel>], iteration_bounds = array<i64: 2, 16>, scalar_prefetch = 0 : i64, scratch_operands = 9 : i64, tpu.core_type = #tpu.core_type<sc_vector_subcore>, window_params = [{transform_indices = #map}, {transform_indices = #map1}, {transform_indices = #map}]} {
    %scan3A = arith.constant 0 : i32
    %scan3A_0 = arith.constant 16 : i32
    %scan3A_1 = arith.addi %scan3A, %scan3A_0 : i32
    %scan3A_2 = arith.constant 1 : i32
    scf.for %scan3A_146 = %scan3A to %scan3A_1 step %scan3A_2  : i32 {
      %mul3A_147 = arith.constant 1 : i32
      %mul3A_148 = arith.muli %scan3A_146, %mul3A_147 : i32
      %add3A_149 = arith.constant 0 : i32
      %add3A_150 = arith.addi %add3A_149, %mul3A_148 : i32
      %broadcast_in_dim3A = arith.constant 0.000000e+00 : f32
      %broadcast_in_dim3A_151 = vector.broadcast %broadcast_in_dim3A : f32 to vector<16xf32>
      %swap3A = arith.index_cast %add3A_150 : i32 to index
      %swap3A_152 = arith.constant 0 : index
      %swap3A_153 = tpu.vector_load %arg9[%swap3A, %swap3A_152] {strides = array<i32>} : memref<16x128xf32, #tpu.memory_space<vmem>>, vector<1x16xf32>,
      %swap3A_154 = vector.shape_cast %swap3A_153 : vector<1x16xf32> to vector<16xf32>
      %swap3A_155 = vector.shape_cast %broadcast_in_dim3A_151 : vector<16xf32> to vector<1x16xf32>
      tpu.vector_store %arg9[%swap3A, %swap3A_152], %swap3A_155 {strides = array<i32>} : memref<16x128xf32, #tpu.memory_space<vmem>>, vector<1x16xf32>,
      %broadcast_in_dim3A_156 = arith.constant 0.000000e+00 : f32
      %broadcast_in_dim3A_157 = vector.broadcast %broadcast_in_dim3A_156 : f32 to vector<16xf32>
      %swap3A_158 = arith.index_cast %add3A_150 : i32 to index
      %swap3A_159 = arith.constant 16 : index
      %swap3A_160 = tpu.vector_load %arg9[%swap3A_158, %swap3A_159] {strides = array<i32>} : memref<16x128xf32, #tpu.memory_space<vmem>>, vector<1x16xf32>,
      %swap3A_161 = vector.shape_cast %swap3A_160 : vector<1x16xf32> to vector<16xf32>
      %swap3A_162 = vector.shape_cast %broadcast_in_dim3A_157 : vector<16xf32> to vector<1x16xf32>
      tpu.vector_store %arg9[%swap3A_158, %swap3A_159], %swap3A_162 {strides = array<i32>} : memref<16x128xf32, #tpu.memory_space<vmem>>, vector<1x16xf32>,
      %broadcast_in_dim3A_163 = arith.constant 0.000000e+00 : f32
      %broadcast_in_dim3A_164 = vector.broadcast %broadcast_in_dim3A_163 : f32 to vector<16xf32>
      %swap3A_165 = arith.index_cast %add3A_150 : i32 to index
      %swap3A_166 = arith.constant 32 : index
      %swap3A_167 = tpu.vector_load %arg9[%swap3A_165, %swap3A_166] {strides = array<i32>} : memref<16x128xf32, #tpu.memory_space<vmem>>, vector<1x16xf32>,
      %swap3A_168 = vector.shape_cast %swap3A_167 : vector<1x16xf32> to vector<16xf32>
      %swap3A_169 = vector.shape_cast %broadcast_in_dim3A_164 : vector<16xf32> to vector<1x16xf32>
      tpu.vector_store %arg9[%swap3A_165, %swap3A_166], %swap3A_169 {strides = array<i32>} : memref<16x128xf32, #tpu.memory_space<vmem>>, vector<1x16xf32>,
      %broadcast_in_dim3A_170 = arith.constant 0.000000e+00 : f32
      %broadcast_in_dim3A_171 = vector.broadcast %broadcast_in_dim3A_170 : f32 to vector<16xf32>
      %swap3A_172 = arith.index_cast %add3A_150 : i32 to index
      %swap3A_173 = arith.constant 48 : index
      %swap3A_174 = tpu.vector_load %arg9[%swap3A_172, %swap3A_173] {strides = array<i32>} : memref<16x128xf32, #tpu.memory_space<vmem>>, vector<1x16xf32>,
      %swap3A_175 = vector.shape_cast %swap3A_174 : vector<1x16xf32> to vector<16xf32>
      %swap3A_176 = vector.shape_cast %broadcast_in_dim3A_171 : vector<16xf32> to vector<1x16xf32>
      tpu.vector_store %arg9[%swap3A_172, %swap3A_173], %swap3A_176 {strides = array<i32>} : memref<16x128xf32, #tpu.memory_space<vmem>>, vector<1x16xf32>,
      %broadcast_in_dim3A_177 = arith.constant 0.000000e+00 : f32
      %broadcast_in_dim3A_178 = vector.broadcast %broadcast_in_dim3A_177 : f32 to vector<16xf32>
      %swap3A_179 = arith.index_cast %add3A_150 : i32 to index
      %swap3A_180 = arith.constant 64 : index
      %swap3A_181 = tpu.vector_load %arg9[%swap3A_179, %swap3A_180] {strides = array<i32>} : memref<16x128xf32, #tpu.memory_space<vmem>>, vector<1x16xf32>,
      %swap3A_182 = vector.shape_cast %swap3A_181 : vector<1x16xf32> to vector<16xf32>
      %swap3A_183 = vector.shape_cast %broadcast_in_dim3A_178 : vector<16xf32> to vector<1x16xf32>
      tpu.vector_store %arg9[%swap3A_179, %swap3A_180], %swap3A_183 {strides = array<i32>} : memref<16x128xf32, #tpu.memory_space<vmem>>, vector<1x16xf32>,
      %broadcast_in_dim3A_184 = arith.constant 0.000000e+00 : f32
      %broadcast_in_dim3A_185 = vector.broadcast %broadcast_in_dim3A_184 : f32 to vector<16xf32>
      %swap3A_186 = arith.index_cast %add3A_150 : i32 to index
      %swap3A_187 = arith.constant 80 : index
      %swap3A_188 = tpu.vector_load %arg9[%swap3A_186, %swap3A_187] {strides = array<i32>} : memref<16x128xf32, #tpu.memory_space<vmem>>, vector<1x16xf32>,
      %swap3A_189 = vector.shape_cast %swap3A_188 : vector<1x16xf32> to vector<16xf32>
      %swap3A_190 = vector.shape_cast %broadcast_in_dim3A_185 : vector<16xf32> to vector<1x16xf32>
      tpu.vector_store %arg9[%swap3A_186, %swap3A_187], %swap3A_190 {strides = array<i32>} : memref<16x128xf32, #tpu.memory_space<vmem>>, vector<1x16xf32>,
      %broadcast_in_dim3A_191 = arith.constant 0.000000e+00 : f32
      %broadcast_in_dim3A_192 = vector.broadcast %broadcast_in_dim3A_191 : f32 to vector<16xf32>
      %swap3A_193 = arith.index_cast %add3A_150 : i32 to index
      %swap3A_194 = arith.constant 96 : index
      %swap3A_195 = tpu.vector_load %arg9[%swap3A_193, %swap3A_194] {strides = array<i32>} : memref<16x128xf32, #tpu.memory_space<vmem>>, vector<1x16xf32>,
      %swap3A_196 = vector.shape_cast %swap3A_195 : vector<1x16xf32> to vector<16xf32>
      %swap3A_197 = vector.shape_cast %broadcast_in_dim3A_192 : vector<16xf32> to vector<1x16xf32>
      tpu.vector_store %arg9[%swap3A_193, %swap3A_194], %swap3A_197 {strides = array<i32>} : memref<16x128xf32, #tpu.memory_space<vmem>>, vector<1x16xf32>,
      %broadcast_in_dim3A_198 = arith.constant 0.000000e+00 : f32
      %broadcast_in_dim3A_199 = vector.broadcast %broadcast_in_dim3A_198 : f32 to vector<16xf32>
      %swap3A_200 = arith.index_cast %add3A_150 : i32 to index
      %swap3A_201 = arith.constant 112 : index
      %swap3A_202 = tpu.vector_load %arg9[%swap3A_200, %swap3A_201] {strides = array<i32>} : memref<16x128xf32, #tpu.memory_space<vmem>>, vector<1x16xf32>,
      %swap3A_203 = vector.shape_cast %swap3A_202 : vector<1x16xf32> to vector<16xf32>
      %swap3A_204 = vector.shape_cast %broadcast_in_dim3A_199 : vector<16xf32> to vector<1x16xf32>
      tpu.vector_store %arg9[%swap3A_200, %swap3A_201], %swap3A_204 {strides = array<i32>} : memref<16x128xf32, #tpu.memory_space<vmem>>, vector<1x16xf32>,
    }
    %scan3A_3 = arith.constant 16 : i32
    %scan3A_4 = arith.constant 0 : i32
    %scan3A_5 = arith.constant 5 : i32
    %scan3A_6 = arith.addi %scan3A_4, %scan3A_5 : i32
    %scan3A_7 = arith.constant 1 : i32
    scf.for %scan3A_146 = %scan3A_4 to %scan3A_6 step %scan3A_7  : i32 {
      %mul3A_147 = arith.constant 1 : i32
      %mul3A_148 = arith.muli %scan3A_146, %mul3A_147 : i32
      %add3A_149 = arith.constant 0 : i32
      %add3A_150 = arith.addi %add3A_149, %mul3A_148 : i32
      %mul3A_151 = arith.constant 640 : i32
      %mul3A_152 = arith.muli %arg1, %mul3A_151 : i32
      %mul3A_153 = arith.constant 8 : i32
      %mul3A_154 = arith.muli %add3A_150, %mul3A_153 : i32
      %add3A_155 = arith.constant 0 : i32
      %add3A_156 = arith.addi %mul3A_154, %add3A_155 : i32
      %mul3A_157 = arith.constant 16 : i32
      %mul3A_158 = arith.muli %add3A_156, %mul3A_157 : i32
      %add3A_159 = arith.addi %mul3A_152, %mul3A_158 : i32
      %dma_start3A_160 = arith.constant 0 : i32
      %dma_start3A_161 = tpu.memref_slice %arg10[%add3A_159, %dma_start3A_160] : memref<10240x128xf32, #tpu.memory_space<vmem_shared>> -> memref<16x128xf32, #tpu.memory_space<vmem_shared>>
      %dma_start3A_162 = arith.constant 0 : i32
      %dma_start3A_163 = tpu.memref_slice %arg10[%add3A_159, %dma_start3A_162] : memref<10240x128xf32, #tpu.memory_space<vmem_shared>> -> memref<16x128xf32, #tpu.memory_space<vmem_shared>>
      tpu.enqueue_dma source(%arg9 : memref<16x128xf32, #tpu.memory_space<vmem>>) target(%dma_start3A_163 : memref<16x128xf32, #tpu.memory_space<vmem_shared>>) target_semaphore(%arg13 : memref<!tpu.dma_semaphore, #tpu.memory_space<semaphore_mem>>)
      %mul3A_164 = arith.constant 640 : i32
      %mul3A_165 = arith.muli %arg1, %mul3A_164 : i32
      %mul3A_166 = arith.constant 8 : i32
      %mul3A_167 = arith.muli %add3A_150, %mul3A_166 : i32
      %add3A_168 = arith.constant 1 : i32
      %add3A_169 = arith.addi %mul3A_167, %add3A_168 : i32
      %mul3A_170 = arith.constant 16 : i32
      %mul3A_171 = arith.muli %add3A_169, %mul3A_170 : i32
      %add3A_172 = arith.addi %mul3A_165, %mul3A_171 : i32
      %dma_start3A_173 = arith.constant 0 : i32
      %dma_start3A_174 = tpu.memref_slice %arg10[%add3A_172, %dma_start3A_173] : memref<10240x128xf32, #tpu.memory_space<vmem_shared>> -> memref<16x128xf32, #tpu.memory_space<vmem_shared>>
      %dma_start3A_175 = arith.constant 0 : i32
      %dma_start3A_176 = tpu.memref_slice %arg10[%add3A_172, %dma_start3A_175] : memref<10240x128xf32, #tpu.memory_space<vmem_shared>> -> memref<16x128xf32, #tpu.memory_space<vmem_shared>>
      tpu.enqueue_dma source(%arg9 : memref<16x128xf32, #tpu.memory_space<vmem>>) target(%dma_start3A_176 : memref<16x128xf32, #tpu.memory_space<vmem_shared>>) target_semaphore(%arg13 : memref<!tpu.dma_semaphore, #tpu.memory_space<semaphore_mem>>)
      %mul3A_177 = arith.constant 640 : i32
      %mul3A_178 = arith.muli %arg1, %mul3A_177 : i32
      %mul3A_179 = arith.constant 8 : i32
      %mul3A_180 = arith.muli %add3A_150, %mul3A_179 : i32
      %add3A_181 = arith.constant 2 : i32
      %add3A_182 = arith.addi %mul3A_180, %add3A_181 : i32
      %mul3A_183 = arith.constant 16 : i32
      %mul3A_184 = arith.muli %add3A_182, %mul3A_183 : i32
      %add3A_185 = arith.addi %mul3A_178, %mul3A_184 : i32
      %dma_start3A_186 = arith.constant 0 : i32
      %dma_start3A_187 = tpu.memref_slice %arg10[%add3A_185, %dma_start3A_186] : memref<10240x128xf32, #tpu.memory_space<vmem_shared>> -> memref<16x128xf32, #tpu.memory_space<vmem_shared>>
      %dma_start3A_188 = arith.constant 0 : i32
      %dma_start3A_189 = tpu.memref_slice %arg10[%add3A_185, %dma_start3A_188] : memref<10240x128xf32, #tpu.memory_space<vmem_shared>> -> memref<16x128xf32, #tpu.memory_space<vmem_shared>>
      tpu.enqueue_dma source(%arg9 : memref<16x128xf32, #tpu.memory_space<vmem>>) target(%dma_start3A_189 : memref<16x128xf32, #tpu.memory_space<vmem_shared>>) target_semaphore(%arg13 : memref<!tpu.dma_semaphore, #tpu.memory_space<semaphore_mem>>)
      %mul3A_190 = arith.constant 640 : i32
      %mul3A_191 = arith.muli %arg1, %mul3A_190 : i32
      %mul3A_192 = arith.constant 8 : i32
      %mul3A_193 = arith.muli %add3A_150, %mul3A_192 : i32
      %add3A_194 = arith.constant 3 : i32
      %add3A_195 = arith.addi %mul3A_193, %add3A_194 : i32
      %mul3A_196 = arith.constant 16 : i32
      %mul3A_197 = arith.muli %add3A_195, %mul3A_196 : i32
      %add3A_198 = arith.addi %mul3A_191, %mul3A_197 : i32
      %dma_start3A_199 = arith.constant 0 : i32
      %dma_start3A_200 = tpu.memref_slice %arg10[%add3A_198, %dma_start3A_199] : memref<10240x128xf32, #tpu.memory_space<vmem_shared>> -> memref<16x128xf32, #tpu.memory_space<vmem_shared>>
      %dma_start3A_201 = arith.constant 0 : i32
      %dma_start3A_202 = tpu.memref_slice %arg10[%add3A_198, %dma_start3A_201] : memref<10240x128xf32, #tpu.memory_space<vmem_shared>> -> memref<16x128xf32, #tpu.memory_space<vmem_shared>>
      tpu.enqueue_dma source(%arg9 : memref<16x128xf32, #tpu.memory_space<vmem>>) target(%dma_start3A_202 : memref<16x128xf32, #tpu.memory_space<vmem_shared>>) target_semaphore(%arg13 : memref<!tpu.dma_semaphore, #tpu.memory_space<semaphore_mem>>)
      %mul3A_203 = arith.constant 640 : i32
      %mul3A_204 = arith.muli %arg1, %mul3A_203 : i32
      %mul3A_205 = arith.constant 8 : i32
      %mul3A_206 = arith.muli %add3A_150, %mul3A_205 : i32
      %add3A_207 = arith.constant 4 : i32
      %add3A_208 = arith.addi %mul3A_206, %add3A_207 : i32
      %mul3A_209 = arith.constant 16 : i32
      %mul3A_210 = arith.muli %add3A_208, %mul3A_209 : i32
      %add3A_211 = arith.addi %mul3A_204, %mul3A_210 : i32
      %dma_start3A_212 = arith.constant 0 : i32
      %dma_start3A_213 = tpu.memref_slice %arg10[%add3A_211, %dma_start3A_212] : memref<10240x128xf32, #tpu.memory_space<vmem_shared>> -> memref<16x128xf32, #tpu.memory_space<vmem_shared>>
      %dma_start3A_214 = arith.constant 0 : i32
      %dma_start3A_215 = tpu.memref_slice %arg10[%add3A_211, %dma_start3A_214] : memref<10240x128xf32, #tpu.memory_space<vmem_shared>> -> memref<16x128xf32, #tpu.memory_space<vmem_shared>>
      tpu.enqueue_dma source(%arg9 : memref<16x128xf32, #tpu.memory_space<vmem>>) target(%dma_start3A_215 : memref<16x128xf32, #tpu.memory_space<vmem_shared>>) target_semaphore(%arg13 : memref<!tpu.dma_semaphore, #tpu.memory_space<semaphore_mem>>)
      %mul3A_216 = arith.constant 640 : i32
      %mul3A_217 = arith.muli %arg1, %mul3A_216 : i32
      %mul3A_218 = arith.constant 8 : i32
      %mul3A_219 = arith.muli %add3A_150, %mul3A_218 : i32
      %add3A_220 = arith.constant 5 : i32
      %add3A_221 = arith.addi %mul3A_219, %add3A_220 : i32
      %mul3A_222 = arith.constant 16 : i32
      %mul3A_223 = arith.muli %add3A_221, %mul3A_222 : i32
      %add3A_224 = arith.addi %mul3A_217, %mul3A_223 : i32
      %dma_start3A_225 = arith.constant 0 : i32
      %dma_start3A_226 = tpu.memref_slice %arg10[%add3A_224, %dma_start3A_225] : memref<10240x128xf32, #tpu.memory_space<vmem_shared>> -> memref<16x128xf32, #tpu.memory_space<vmem_shared>>
      %dma_start3A_227 = arith.constant 0 : i32
      %dma_start3A_228 = tpu.memref_slice %arg10[%add3A_224, %dma_start3A_227] : memref<10240x128xf32, #tpu.memory_space<vmem_shared>> -> memref<16x128xf32, #tpu.memory_space<vmem_shared>>
      tpu.enqueue_dma source(%arg9 : memref<16x128xf32, #tpu.memory_space<vmem>>) target(%dma_start3A_228 : memref<16x128xf32, #tpu.memory_space<vmem_shared>>) target_semaphore(%arg13 : memref<!tpu.dma_semaphore, #tpu.memory_space<semaphore_mem>>)
      %mul3A_229 = arith.constant 640 : i32
      %mul3A_230 = arith.muli %arg1, %mul3A_229 : i32
      %mul3A_231 = arith.constant 8 : i32
      %mul3A_232 = arith.muli %add3A_150, %mul3A_231 : i32
      %add3A_233 = arith.constant 6 : i32
      %add3A_234 = arith.addi %mul3A_232, %add3A_233 : i32
      %mul3A_235 = arith.constant 16 : i32
      %mul3A_236 = arith.muli %add3A_234, %mul3A_235 : i32
      %add3A_237 = arith.addi %mul3A_230, %mul3A_236 : i32
      %dma_start3A_238 = arith.constant 0 : i32
      %dma_start3A_239 = tpu.memref_slice %arg10[%add3A_237, %dma_start3A_238] : memref<10240x128xf32, #tpu.memory_space<vmem_shared>> -> memref<16x128xf32, #tpu.memory_space<vmem_shared>>
      %dma_start3A_240 = arith.constant 0 : i32
      %dma_start3A_241 = tpu.memref_slice %arg10[%add3A_237, %dma_start3A_240] : memref<10240x128xf32, #tpu.memory_space<vmem_shared>> -> memref<16x128xf32, #tpu.memory_space<vmem_shared>>
      tpu.enqueue_dma source(%arg9 : memref<16x128xf32, #tpu.memory_space<vmem>>) target(%dma_start3A_241 : memref<16x128xf32, #tpu.memory_space<vmem_shared>>) target_semaphore(%arg13 : memref<!tpu.dma_semaphore, #tpu.memory_space<semaphore_mem>>)
      %mul3A_242 = arith.constant 640 : i32
      %mul3A_243 = arith.muli %arg1, %mul3A_242 : i32
      %mul3A_244 = arith.constant 8 : i32
      %mul3A_245 = arith.muli %add3A_150, %mul3A_244 : i32
      %add3A_246 = arith.constant 7 : i32
      %add3A_247 = arith.addi %mul3A_245, %add3A_246 : i32
      %mul3A_248 = arith.constant 16 : i32
      %mul3A_249 = arith.muli %add3A_247, %mul3A_248 : i32
      %add3A_250 = arith.addi %mul3A_243, %mul3A_249 : i32
      %dma_start3A_251 = arith.constant 0 : i32
      %dma_start3A_252 = tpu.memref_slice %arg10[%add3A_250, %dma_start3A_251] : memref<10240x128xf32, #tpu.memory_space<vmem_shared>> -> memref<16x128xf32, #tpu.memory_space<vmem_shared>>
      %dma_start3A_253 = arith.constant 0 : i32
      %dma_start3A_254 = tpu.memref_slice %arg10[%add3A_250, %dma_start3A_253] : memref<10240x128xf32, #tpu.memory_space<vmem_shared>> -> memref<16x128xf32, #tpu.memory_space<vmem_shared>>
      tpu.enqueue_dma source(%arg9 : memref<16x128xf32, #tpu.memory_space<vmem>>) target(%dma_start3A_254 : memref<16x128xf32, #tpu.memory_space<vmem_shared>>) target_semaphore(%arg13 : memref<!tpu.dma_semaphore, #tpu.memory_space<semaphore_mem>>)
      %dma_wait3A_255 = arith.constant 0 : i32
      %dma_wait3A_256 = arith.constant 0 : i32
      %dma_wait3A_257 = tpu.memref_slice %arg10[%dma_wait3A_255, %dma_wait3A_256] : memref<10240x128xf32, #tpu.memory_space<vmem_shared>> -> memref<16x128xf32, #tpu.memory_space<vmem_shared>>
      %dma_wait3A_258 = arith.constant 0 : i32
      %dma_wait3A_259 = arith.constant 0 : i32
      %dma_wait3A_260 = tpu.memref_slice %arg10[%dma_wait3A_258, %dma_wait3A_259] : memref<10240x128xf32, #tpu.memory_space<vmem_shared>> -> memref<16x128xf32, #tpu.memory_space<vmem_shared>>
      tpu.wait_dma2 semaphore(%arg13 : memref<!tpu.dma_semaphore, #tpu.memory_space<semaphore_mem>>) src(%arg9 : memref<16x128xf32, #tpu.memory_space<vmem>>) dst(%dma_wait3A_260 : memref<16x128xf32, #tpu.memory_space<vmem_shared>>)
      %dma_wait3A_261 = arith.constant 0 : i32
      %dma_wait3A_262 = arith.constant 0 : i32
      %dma_wait3A_263 = tpu.memref_slice %arg10[%dma_wait3A_261, %dma_wait3A_262] : memref<10240x128xf32, #tpu.memory_space<vmem_shared>> -> memref<16x128xf32, #tpu.memory_space<vmem_shared>>
      %dma_wait3A_264 = arith.constant 0 : i32
      %dma_wait3A_265 = arith.constant 0 : i32
      %dma_wait3A_266 = tpu.memref_slice %arg10[%dma_wait3A_264, %dma_wait3A_265] : memref<10240x128xf32, #tpu.memory_space<vmem_shared>> -> memref<16x128xf32, #tpu.memory_space<vmem_shared>>
      tpu.wait_dma2 semaphore(%arg13 : memref<!tpu.dma_semaphore, #tpu.memory_space<semaphore_mem>>) src(%arg9 : memref<16x128xf32, #tpu.memory_space<vmem>>) dst(%dma_wait3A_266 : memref<16x128xf32, #tpu.memory_space<vmem_shared>>)
      %dma_wait3A_267 = arith.constant 0 : i32
      %dma_wait3A_268 = arith.constant 0 : i32
      %dma_wait3A_269 = tpu.memref_slice %arg10[%dma_wait3A_267, %dma_wait3A_268] : memref<10240x128xf32, #tpu.memory_space<vmem_shared>> -> memref<16x128xf32, #tpu.memory_space<vmem_shared>>
      %dma_wait3A_270 = arith.constant 0 : i32
      %dma_wait3A_271 = arith.constant 0 : i32
      %dma_wait3A_272 = tpu.memref_slice %arg10[%dma_wait3A_270, %dma_wait3A_271] : memref<10240x128xf32, #tpu.memory_space<vmem_shared>> -> memref<16x128xf32, #tpu.memory_space<vmem_shared>>
      tpu.wait_dma2 semaphore(%arg13 : memref<!tpu.dma_semaphore, #tpu.memory_space<semaphore_mem>>) src(%arg9 : memref<16x128xf32, #tpu.memory_space<vmem>>) dst(%dma_wait3A_272 : memref<16x128xf32, #tpu.memory_space<vmem_shared>>)
      %dma_wait3A_273 = arith.constant 0 : i32
      %dma_wait3A_274 = arith.constant 0 : i32
      %dma_wait3A_275 = tpu.memref_slice %arg10[%dma_wait3A_273, %dma_wait3A_274] : memref<10240x128xf32, #tpu.memory_space<vmem_shared>> -> memref<16x128xf32, #tpu.memory_space<vmem_shared>>
      %dma_wait3A_276 = arith.constant 0 : i32
      %dma_wait3A_277 = arith.constant 0 : i32
      %dma_wait3A_278 = tpu.memref_slice %arg10[%dma_wait3A_276, %dma_wait3A_277] : memref<10240x128xf32, #tpu.memory_space<vmem_shared>> -> memref<16x128xf32, #tpu.memory_space<vmem_shared>>
      tpu.wait_dma2 semaphore(%arg13 : memref<!tpu.dma_semaphore, #tpu.memory_space<semaphore_mem>>) src(%arg9 : memref<16x128xf32, #tpu.memory_space<vmem>>) dst(%dma_wait3A_278 : memref<16x128xf32, #tpu.memory_space<vmem_shared>>)
      %dma_wait3A_279 = arith.constant 0 : i32
      %dma_wait3A_280 = arith.constant 0 : i32
      %dma_wait3A_281 = tpu.memref_slice %arg10[%dma_wait3A_279, %dma_wait3A_280] : memref<10240x128xf32, #tpu.memory_space<vmem_shared>> -> memref<16x128xf32, #tpu.memory_space<vmem_shared>>
      %dma_wait3A_282 = arith.constant 0 : i32
      %dma_wait3A_283 = arith.constant 0 : i32
      %dma_wait3A_284 = tpu.memref_slice %arg10[%dma_wait3A_282, %dma_wait3A_283] : memref<10240x128xf32, #tpu.memory_space<vmem_shared>> -> memref<16x128xf32, #tpu.memory_space<vmem_shared>>
      tpu.wait_dma2 semaphore(%arg13 : memref<!tpu.dma_semaphore, #tpu.memory_space<semaphore_mem>>) src(%arg9 : memref<16x128xf32, #tpu.memory_space<vmem>>) dst(%dma_wait3A_284 : memref<16x128xf32, #tpu.memory_space<vmem_shared>>)
      %dma_wait3A_285 = arith.constant 0 : i32
      %dma_wait3A_286 = arith.constant 0 : i32
      %dma_wait3A_287 = tpu.memref_slice %arg10[%dma_wait3A_285, %dma_wait3A_286] : memref<10240x128xf32, #tpu.memory_space<vmem_shared>> -> memref<16x128xf32, #tpu.memory_space<vmem_shared>>
      %dma_wait3A_288 = arith.constant 0 : i32
      %dma_wait3A_289 = arith.constant 0 : i32
      %dma_wait3A_290 = tpu.memref_slice %arg10[%dma_wait3A_288, %dma_wait3A_289] : memref<10240x128xf32, #tpu.memory_space<vmem_shared>> -> memref<16x128xf32, #tpu.memory_space<vmem_shared>>
      tpu.wait_dma2 semaphore(%arg13 : memref<!tpu.dma_semaphore, #tpu.memory_space<semaphore_mem>>) src(%arg9 : memref<16x128xf32, #tpu.memory_space<vmem>>) dst(%dma_wait3A_290 : memref<16x128xf32, #tpu.memory_space<vmem_shared>>)
      %dma_wait3A_291 = arith.constant 0 : i32
      %dma_wait3A_292 = arith.constant 0 : i32
      %dma_wait3A_293 = tpu.memref_slice %arg10[%dma_wait3A_291, %dma_wait3A_292] : memref<10240x128xf32, #tpu.memory_space<vmem_shared>> -> memref<16x128xf32, #tpu.memory_space<vmem_shared>>
      %dma_wait3A_294 = arith.constant 0 : i32
      %dma_wait3A_295 = arith.constant 0 : i32
      %dma_wait3A_296 = tpu.memref_slice %arg10[%dma_wait3A_294, %dma_wait3A_295] : memref<10240x128xf32, #tpu.memory_space<vmem_shared>> -> memref<16x128xf32, #tpu.memory_space<vmem_shared>>
      tpu.wait_dma2 semaphore(%arg13 : memref<!tpu.dma_semaphore, #tpu.memory_space<semaphore_mem>>) src(%arg9 : memref<16x128xf32, #tpu.memory_space<vmem>>) dst(%dma_wait3A_296 : memref<16x128xf32, #tpu.memory_space<vmem_shared>>)
      %dma_wait3A_297 = arith.constant 0 : i32
      %dma_wait3A_298 = arith.constant 0 : i32
      %dma_wait3A_299 = tpu.memref_slice %arg10[%dma_wait3A_297, %dma_wait3A_298] : memref<10240x128xf32, #tpu.memory_space<vmem_shared>> -> memref<16x128xf32, #tpu.memory_space<vmem_shared>>
      %dma_wait3A_300 = arith.constant 0 : i32
      %dma_wait3A_301 = arith.constant 0 : i32
      %dma_wait3A_302 = tpu.memref_slice %arg10[%dma_wait3A_300, %dma_wait3A_301] : memref<10240x128xf32, #tpu.memory_space<vmem_shared>> -> memref<16x128xf32, #tpu.memory_space<vmem_shared>>
      tpu.wait_dma2 semaphore(%arg13 : memref<!tpu.dma_semaphore, #tpu.memory_space<semaphore_mem>>) src(%arg9 : memref<16x128xf32, #tpu.memory_space<vmem>>) dst(%dma_wait3A_302 : memref<16x128xf32, #tpu.memory_space<vmem_shared>>)
    }
    %scan3A_8 = arith.constant 5 : i32
    %barrier3A = arith.constant 0 : index
    tpu.barrier barrier_id(%barrier3A)
    %mul3A = arith.constant 16 : i32
    %mul3A_9 = arith.muli %arg0, %mul3A : i32
    %add3A = arith.addi %mul3A_9, %arg1 : i32
    %mul3A_10 = arith.constant 80 : i32
    %mul3A_11 = arith.muli %add3A, %mul3A_10 : i32
    %add3A_12 = arith.constant 0 : i32
    %add3A_13 = arith.addi %mul3A_11, %add3A_12 : i32
    %run_scoped3A = arith.constant 0 : i32
    "tpu.region"() ({
      %run_scoped3A_146 = tpu.sem_alloc : memref<!tpu.dma_semaphore, #tpu.memory_space<semaphore_mem>>
      %dma_start3A_147 = arith.constant 0 : i32
      %dma_start3A_148 = tpu.memref_slice %arg2[%run_scoped3A, %add3A_13, %dma_start3A_147] : memref<2x2560x128xi32, #tpu.memory_space<hbm>> -> memref<1x40x128xi32, #tpu.memory_space<hbm>>
      %dma_start3A_149 = tpu.memref_squeeze %dma_start3A_148 : memref<1x40x128xi32, #tpu.memory_space<hbm>> -> memref<40x128xi32, #tpu.memory_space<hbm>>
      %dma_start3A_150 = arith.constant 0 : i32
      %dma_start3A_151 = tpu.memref_slice %arg2[%run_scoped3A, %add3A_13, %dma_start3A_150] : memref<2x2560x128xi32, #tpu.memory_space<hbm>> -> memref<1x40x128xi32, #tpu.memory_space<hbm>>
      %dma_start3A_152 = tpu.memref_squeeze %dma_start3A_151 : memref<1x40x128xi32, #tpu.memory_space<hbm>> -> memref<40x128xi32, #tpu.memory_space<hbm>>
      tpu.enqueue_dma source(%dma_start3A_152 : memref<40x128xi32, #tpu.memory_space<hbm>>) target(%arg5 : memref<40x128xi32, #tpu.memory_space<vmem>>) target_semaphore(%run_scoped3A_146 : memref<!tpu.dma_semaphore, #tpu.memory_space<semaphore_mem>>)
      %dma_wait3A_153 = arith.constant 0 : i32
      %dma_wait3A_154 = tpu.memref_slice %arg2[%run_scoped3A, %add3A_13, %dma_wait3A_153] : memref<2x2560x128xi32, #tpu.memory_space<hbm>> -> memref<1x40x128xi32, #tpu.memory_space<hbm>>
      %dma_wait3A_155 = tpu.memref_squeeze %dma_wait3A_154 : memref<1x40x128xi32, #tpu.memory_space<hbm>> -> memref<40x128xi32, #tpu.memory_space<hbm>>
      %dma_wait3A_156 = arith.constant 0 : i32
      %dma_wait3A_157 = tpu.memref_slice %arg2[%run_scoped3A, %add3A_13, %dma_wait3A_156] : memref<2x2560x128xi32, #tpu.memory_space<hbm>> -> memref<1x40x128xi32, #tpu.memory_space<hbm>>
      %dma_wait3A_158 = tpu.memref_squeeze %dma_wait3A_157 : memref<1x40x128xi32, #tpu.memory_space<hbm>> -> memref<40x128xi32, #tpu.memory_space<hbm>>
      tpu.wait_dma2 semaphore(%run_scoped3A_146 : memref<!tpu.dma_semaphore, #tpu.memory_space<semaphore_mem>>) src(%dma_wait3A_158 : memref<40x128xi32, #tpu.memory_space<hbm>>) dst(%arg5 : memref<40x128xi32, #tpu.memory_space<vmem>>)
      tpu.yield
    }) : () -> ()
    %run_scoped3A_14 = arith.constant 1 : i32
    "tpu.region"() ({
      %run_scoped3A_146 = tpu.sem_alloc : memref<!tpu.dma_semaphore, #tpu.memory_space<semaphore_mem>>
      %dma_start3A_147 = arith.constant 0 : i32
      %dma_start3A_148 = tpu.memref_slice %arg2[%run_scoped3A_14, %add3A_13, %dma_start3A_147] : memref<2x2560x128xi32, #tpu.memory_space<hbm>> -> memref<1x40x128xi32, #tpu.memory_space<hbm>>
      %dma_start3A_149 = tpu.memref_squeeze %dma_start3A_148 : memref<1x40x128xi32, #tpu.memory_space<hbm>> -> memref<40x128xi32, #tpu.memory_space<hbm>>
      %dma_start3A_150 = arith.constant 0 : i32
      %dma_start3A_151 = tpu.memref_slice %arg2[%run_scoped3A_14, %add3A_13, %dma_start3A_150] : memref<2x2560x128xi32, #tpu.memory_space<hbm>> -> memref<1x40x128xi32, #tpu.memory_space<hbm>>
      %dma_start3A_152 = tpu.memref_squeeze %dma_start3A_151 : memref<1x40x128xi32, #tpu.memory_space<hbm>> -> memref<40x128xi32, #tpu.memory_space<hbm>>
      tpu.enqueue_dma source(%dma_start3A_152 : memref<40x128xi32, #tpu.memory_space<hbm>>) target(%arg6 : memref<40x128xi32, #tpu.memory_space<vmem>>) target_semaphore(%run_scoped3A_146 : memref<!tpu.dma_semaphore, #tpu.memory_space<semaphore_mem>>)
      %dma_wait3A_153 = arith.constant 0 : i32
      %dma_wait3A_154 = tpu.memref_slice %arg2[%run_scoped3A_14, %add3A_13, %dma_wait3A_153] : memref<2x2560x128xi32, #tpu.memory_space<hbm>> -> memref<1x40x128xi32, #tpu.memory_space<hbm>>
      %dma_wait3A_155 = tpu.memref_squeeze %dma_wait3A_154 : memref<1x40x128xi32, #tpu.memory_space<hbm>> -> memref<40x128xi32, #tpu.memory_space<hbm>>
      %dma_wait3A_156 = arith.constant 0 : i32
      %dma_wait3A_157 = tpu.memref_slice %arg2[%run_scoped3A_14, %add3A_13, %dma_wait3A_156] : memref<2x2560x128xi32, #tpu.memory_space<hbm>> -> memref<1x40x128xi32, #tpu.memory_space<hbm>>
      %dma_wait3A_158 = tpu.memref_squeeze %dma_wait3A_157 : memref<1x40x128xi32, #tpu.memory_space<hbm>> -> memref<40x128xi32, #tpu.memory_space<hbm>>
      tpu.wait_dma2 semaphore(%run_scoped3A_146 : memref<!tpu.dma_semaphore, #tpu.memory_space<semaphore_mem>>) src(%dma_wait3A_158 : memref<40x128xi32, #tpu.memory_space<hbm>>) dst(%arg6 : memref<40x128xi32, #tpu.memory_space<vmem>>)
      tpu.yield
    }) : () -> ()
    %dma_start3A = arith.constant 0 : i32
    %dma_start3A_15 = arith.constant 0 : i32
    %dma_start3A_16 = tpu.memref_slice %arg5[%dma_start3A, %dma_start3A_15] : memref<40x128xi32, #tpu.memory_space<vmem>> -> memref<1x128xi32, #tpu.memory_space<vmem>>
    %dma_start3A_17 = tpu.memref_squeeze %dma_start3A_16 : memref<1x128xi32, #tpu.memory_space<vmem>> -> memref<128xi32, #tpu.memory_space<vmem>>
    %dma_start3A_18 = arith.constant 0 : i32
    %dma_start3A_19 = arith.constant 0 : i32
    %dma_start3A_20 = tpu.memref_slice %arg3[%dma_start3A_18, %dma_start3A_19] : memref<10000x128xf32, #tpu.memory_space<hbm>> -> memref<10000x128xf32, #tpu.memory_space<hbm>>
    tpu.enqueue_indirect_dma source(%dma_start3A_20 : memref<10000x128xf32, #tpu.memory_space<hbm>>) target(%arg7 : memref<128x128xf32, #tpu.memory_space<vmem>>) offsets(%dma_start3A_17 : memref<128xi32, #tpu.memory_space<vmem>>) semaphore(%arg11 : memref<!tpu.dma_semaphore, #tpu.memory_space<semaphore_mem>>)
    %dma_start3A_21 = arith.constant 1 : i32
    %dma_start3A_22 = arith.constant 0 : i32
    %dma_start3A_23 = tpu.memref_slice %arg5[%dma_start3A_21, %dma_start3A_22] : memref<40x128xi32, #tpu.memory_space<vmem>> -> memref<1x128xi32, #tpu.memory_space<vmem>>
    %dma_start3A_24 = tpu.memref_squeeze %dma_start3A_23 : memref<1x128xi32, #tpu.memory_space<vmem>> -> memref<128xi32, #tpu.memory_space<vmem>>
    %dma_start3A_25 = arith.constant 0 : i32
    %dma_start3A_26 = arith.constant 0 : i32
    %dma_start3A_27 = tpu.memref_slice %arg3[%dma_start3A_25, %dma_start3A_26] : memref<10000x128xf32, #tpu.memory_space<hbm>> -> memref<10000x128xf32, #tpu.memory_space<hbm>>
    tpu.enqueue_indirect_dma source(%dma_start3A_27 : memref<10000x128xf32, #tpu.memory_space<hbm>>) target(%arg8 : memref<128x128xf32, #tpu.memory_space<vmem>>) offsets(%dma_start3A_24 : memref<128xi32, #tpu.memory_space<vmem>>) semaphore(%arg12 : memref<!tpu.dma_semaphore, #tpu.memory_space<semaphore_mem>>)
    %scan3A_28 = arith.constant 0 : i32
    %scan3A_29 = arith.constant 20 : i32
    %scan3A_30 = arith.addi %scan3A_28, %scan3A_29 : i32
    %scan3A_31 = arith.constant 1 : i32
    scf.for %scan3A_146 = %scan3A_28 to %scan3A_30 step %scan3A_31  : i32 {
      %mul3A_147 = arith.constant 1 : i32
      %mul3A_148 = arith.muli %scan3A_146, %mul3A_147 : i32
      %add3A_149 = arith.constant 0 : i32
      %add3A_150 = arith.addi %add3A_149, %mul3A_148 : i32
      %mul3A_151 = arith.constant 2 : i32
      %mul3A_152 = arith.muli %mul3A_151, %add3A_150 : i32
      %dma_wait3A_153 = arith.constant 0 : i32
      %dma_wait3A_154 = arith.constant 0 : i32
      %dma_wait3A_155 = tpu.memref_slice %arg5[%dma_wait3A_153, %dma_wait3A_154] : memref<40x128xi32, #tpu.memory_space<vmem>> -> memref<1x128xi32, #tpu.memory_space<vmem>>
      %dma_wait3A_156 = tpu.memref_squeeze %dma_wait3A_155 : memref<1x128xi32, #tpu.memory_space<vmem>> -> memref<128xi32, #tpu.memory_space<vmem>>
      %dma_wait3A_157 = arith.constant 0 : i32
      %dma_wait3A_158 = arith.constant 0 : i32
      %dma_wait3A_159 = tpu.memref_slice %arg3[%dma_wait3A_157, %dma_wait3A_158] : memref<10000x128xf32, #tpu.memory_space<hbm>> -> memref<10000x128xf32, #tpu.memory_space<hbm>>
      tpu.wait_indirect_dma semaphore(%arg11 : memref<!tpu.dma_semaphore, #tpu.memory_space<semaphore_mem>>) src(%dma_wait3A_159 : memref<10000x128xf32, #tpu.memory_space<hbm>>) dst(%arg7 : memref<128x128xf32, #tpu.memory_space<vmem>>)
      "tpu.region"() ({
        %run_scoped3A_176 = tpu.sem_alloc : memref<!tpu.dma_semaphore, #tpu.memory_space<semaphore_mem>>
        %dma_start3A_177 = arith.constant 0 : i32
        %dma_start3A_178 = tpu.memref_slice %arg6[%mul3A_152, %dma_start3A_177] : memref<40x128xi32, #tpu.memory_space<vmem>> -> memref<1x128xi32, #tpu.memory_space<vmem>>
        %dma_start3A_179 = tpu.memref_squeeze %dma_start3A_178 : memref<1x128xi32, #tpu.memory_space<vmem>> -> memref<128xi32, #tpu.memory_space<vmem>>
        %dma_start3A_180 = arith.constant 0 : i32
        %dma_start3A_181 = arith.constant 0 : i32
        %dma_start3A_182 = tpu.memref_slice %arg10[%dma_start3A_180, %dma_start3A_181] : memref<10240x128xf32, #tpu.memory_space<vmem_shared>> -> memref<10240x128xf32, #tpu.memory_space<vmem_shared>>
        tpu.enqueue_indirect_dma source(%arg7 : memref<128x128xf32, #tpu.memory_space<vmem>>) target(%dma_start3A_182 : memref<10240x128xf32, #tpu.memory_space<vmem_shared>>) offsets(%dma_start3A_179 : memref<128xi32, #tpu.memory_space<vmem>>) semaphore(%run_scoped3A_176 : memref<!tpu.dma_semaphore, #tpu.memory_space<semaphore_mem>>) {add = true}
        %dma_wait3A_183 = arith.constant 0 : i32
        %dma_wait3A_184 = tpu.memref_slice %arg6[%mul3A_152, %dma_wait3A_183] : memref<40x128xi32, #tpu.memory_space<vmem>> -> memref<1x128xi32, #tpu.memory_space<vmem>>
        %dma_wait3A_185 = tpu.memref_squeeze %dma_wait3A_184 : memref<1x128xi32, #tpu.memory_space<vmem>> -> memref<128xi32, #tpu.memory_space<vmem>>
        %dma_wait3A_186 = arith.constant 0 : i32
        %dma_wait3A_187 = arith.constant 0 : i32
        %dma_wait3A_188 = tpu.memref_slice %arg10[%dma_wait3A_186, %dma_wait3A_187] : memref<10240x128xf32, #tpu.memory_space<vmem_shared>> -> memref<10240x128xf32, #tpu.memory_space<vmem_shared>>
        tpu.wait_indirect_dma semaphore(%run_scoped3A_176 : memref<!tpu.dma_semaphore, #tpu.memory_space<semaphore_mem>>) src(%arg7 : memref<128x128xf32, #tpu.memory_space<vmem>>) dst(%dma_wait3A_188 : memref<10240x128xf32, #tpu.memory_space<vmem_shared>>)
        tpu.yield
      }) : () -> ()
      %lt3A = arith.constant 19 : i32
      %lt3A_160 = arith.cmpi slt, %add3A_150, %lt3A : i32
      %convert_element_type3A = arith.extui %lt3A_160 : i1 to i32
      %cond3A = arith.constant 0 : i32
      %cond3A_161 = arith.cmpi ne, %convert_element_type3A, %cond3A : i32
      scf.if %cond3A_161 {
        %add3A_176 = arith.constant 2 : i32
        %add3A_177 = arith.addi %mul3A_152, %add3A_176 : i32
        %dma_start3A_178 = arith.constant 0 : i32
        %dma_start3A_179 = tpu.memref_slice %arg5[%add3A_177, %dma_start3A_178] : memref<40x128xi32, #tpu.memory_space<vmem>> -> memref<1x128xi32, #tpu.memory_space<vmem>>
        %dma_start3A_180 = tpu.memref_squeeze %dma_start3A_179 : memref<1x128xi32, #tpu.memory_space<vmem>> -> memref<128xi32, #tpu.memory_space<vmem>>
        %dma_start3A_181 = arith.constant 0 : i32
        %dma_start3A_182 = arith.constant 0 : i32
        %dma_start3A_183 = tpu.memref_slice %arg3[%dma_start3A_181, %dma_start3A_182] : memref<10000x128xf32, #tpu.memory_space<hbm>> -> memref<10000x128xf32, #tpu.memory_space<hbm>>
        tpu.enqueue_indirect_dma source(%dma_start3A_183 : memref<10000x128xf32, #tpu.memory_space<hbm>>) target(%arg7 : memref<128x128xf32, #tpu.memory_space<vmem>>) offsets(%dma_start3A_180 : memref<128xi32, #tpu.memory_space<vmem>>) semaphore(%arg11 : memref<!tpu.dma_semaphore, #tpu.memory_space<semaphore_mem>>)
      } else {
      }
      %dma_wait3A_162 = arith.constant 1 : i32
      %dma_wait3A_163 = arith.constant 0 : i32
      %dma_wait3A_164 = tpu.memref_slice %arg5[%dma_wait3A_162, %dma_wait3A_163] : memref<40x128xi32, #tpu.memory_space<vmem>> -> memref<1x128xi32, #tpu.memory_space<vmem>>
      %dma_wait3A_165 = tpu.memref_squeeze %dma_wait3A_164 : memref<1x128xi32, #tpu.memory_space<vmem>> -> memref<128xi32, #tpu.memory_space<vmem>>
      %dma_wait3A_166 = arith.constant 0 : i32
      %dma_wait3A_167 = arith.constant 0 : i32
      %dma_wait3A_168 = tpu.memref_slice %arg3[%dma_wait3A_166, %dma_wait3A_167] : memref<10000x128xf32, #tpu.memory_space<hbm>> -> memref<10000x128xf32, #tpu.memory_space<hbm>>
      tpu.wait_indirect_dma semaphore(%arg12 : memref<!tpu.dma_semaphore, #tpu.memory_space<semaphore_mem>>) src(%dma_wait3A_168 : memref<10000x128xf32, #tpu.memory_space<hbm>>) dst(%arg8 : memref<128x128xf32, #tpu.memory_space<vmem>>)
      %add3A_169 = arith.constant 1 : i32
      %add3A_170 = arith.addi %mul3A_152, %add3A_169 : i32
      "tpu.region"() ({
        %run_scoped3A_176 = tpu.sem_alloc : memref<!tpu.dma_semaphore, #tpu.memory_space<semaphore_mem>>
        %dma_start3A_177 = arith.constant 0 : i32
        %dma_start3A_178 = tpu.memref_slice %arg6[%add3A_170, %dma_start3A_177] : memref<40x128xi32, #tpu.memory_space<vmem>> -> memref<1x128xi32, #tpu.memory_space<vmem>>
        %dma_start3A_179 = tpu.memref_squeeze %dma_start3A_178 : memref<1x128xi32, #tpu.memory_space<vmem>> -> memref<128xi32, #tpu.memory_space<vmem>>
        %dma_start3A_180 = arith.constant 0 : i32
        %dma_start3A_181 = arith.constant 0 : i32
        %dma_start3A_182 = tpu.memref_slice %arg10[%dma_start3A_180, %dma_start3A_181] : memref<10240x128xf32, #tpu.memory_space<vmem_shared>> -> memref<10240x128xf32, #tpu.memory_space<vmem_shared>>
        tpu.enqueue_indirect_dma source(%arg8 : memref<128x128xf32, #tpu.memory_space<vmem>>) target(%dma_start3A_182 : memref<10240x128xf32, #tpu.memory_space<vmem_shared>>) offsets(%dma_start3A_179 : memref<128xi32, #tpu.memory_space<vmem>>) semaphore(%run_scoped3A_176 : memref<!tpu.dma_semaphore, #tpu.memory_space<semaphore_mem>>) {add = true}
        %dma_wait3A_183 = arith.constant 0 : i32
        %dma_wait3A_184 = tpu.memref_slice %arg6[%add3A_170, %dma_wait3A_183] : memref<40x128xi32, #tpu.memory_space<vmem>> -> memref<1x128xi32, #tpu.memory_space<vmem>>
        %dma_wait3A_185 = tpu.memref_squeeze %dma_wait3A_184 : memref<1x128xi32, #tpu.memory_space<vmem>> -> memref<128xi32, #tpu.memory_space<vmem>>
        %dma_wait3A_186 = arith.constant 0 : i32
        %dma_wait3A_187 = arith.constant 0 : i32
        %dma_wait3A_188 = tpu.memref_slice %arg10[%dma_wait3A_186, %dma_wait3A_187] : memref<10240x128xf32, #tpu.memory_space<vmem_shared>> -> memref<10240x128xf32, #tpu.memory_space<vmem_shared>>
        tpu.wait_indirect_dma semaphore(%run_scoped3A_176 : memref<!tpu.dma_semaphore, #tpu.memory_space<semaphore_mem>>) src(%arg8 : memref<128x128xf32, #tpu.memory_space<vmem>>) dst(%dma_wait3A_188 : memref<10240x128xf32, #tpu.memory_space<vmem_shared>>)
        tpu.yield
      }) : () -> ()
      %lt3A_171 = arith.constant 19 : i32
      %lt3A_172 = arith.cmpi slt, %add3A_150, %lt3A_171 : i32
      %convert_element_type3A_173 = arith.extui %lt3A_172 : i1 to i32
      %cond3A_174 = arith.constant 0 : i32
      %cond3A_175 = arith.cmpi ne, %convert_element_type3A_173, %cond3A_174 : i32
      scf.if %cond3A_175 {
        %add3A_176 = arith.constant 3 : i32
        %add3A_177 = arith.addi %mul3A_152, %add3A_176 : i32
        %dma_start3A_178 = arith.constant 0 : i32
        %dma_start3A_179 = tpu.memref_slice %arg5[%add3A_177, %dma_start3A_178] : memref<40x128xi32, #tpu.memory_space<vmem>> -> memref<1x128xi32, #tpu.memory_space<vmem>>
        %dma_start3A_180 = tpu.memref_squeeze %dma_start3A_179 : memref<1x128xi32, #tpu.memory_space<vmem>> -> memref<128xi32, #tpu.memory_space<vmem>>
        %dma_start3A_181 = arith.constant 0 : i32
        %dma_start3A_182 = arith.constant 0 : i32
        %dma_start3A_183 = tpu.memref_slice %arg3[%dma_start3A_181, %dma_start3A_182] : memref<10000x128xf32, #tpu.memory_space<hbm>> -> memref<10000x128xf32, #tpu.memory_space<hbm>>
        tpu.enqueue_indirect_dma source(%dma_start3A_183 : memref<10000x128xf32, #tpu.memory_space<hbm>>) target(%arg8 : memref<128x128xf32, #tpu.memory_space<vmem>>) offsets(%dma_start3A_180 : memref<128xi32, #tpu.memory_space<vmem>>) semaphore(%arg12 : memref<!tpu.dma_semaphore, #tpu.memory_space<semaphore_mem>>)
      } else {
      }
    }
    %scan3A_32 = arith.constant 20 : i32
    %add3A_33 = arith.constant 40 : i32
    %add3A_34 = arith.addi %mul3A_11, %add3A_33 : i32
    %run_scoped3A_35 = arith.constant 0 : i32
    "tpu.region"() ({
      %run_scoped3A_146 = tpu.sem_alloc : memref<!tpu.dma_semaphore, #tpu.memory_space<semaphore_mem>>
      %dma_start3A_147 = arith.constant 0 : i32
      %dma_start3A_148 = tpu.memref_slice %arg2[%run_scoped3A_35, %add3A_34, %dma_start3A_147] : memref<2x2560x128xi32, #tpu.memory_space<hbm>> -> memref<1x40x128xi32, #tpu.memory_space<hbm>>
      %dma_start3A_149 = tpu.memref_squeeze %dma_start3A_148 : memref<1x40x128xi32, #tpu.memory_space<hbm>> -> memref<40x128xi32, #tpu.memory_space<hbm>>
      %dma_start3A_150 = arith.constant 0 : i32
      %dma_start3A_151 = tpu.memref_slice %arg2[%run_scoped3A_35, %add3A_34, %dma_start3A_150] : memref<2x2560x128xi32, #tpu.memory_space<hbm>> -> memref<1x40x128xi32, #tpu.memory_space<hbm>>
      %dma_start3A_152 = tpu.memref_squeeze %dma_start3A_151 : memref<1x40x128xi32, #tpu.memory_space<hbm>> -> memref<40x128xi32, #tpu.memory_space<hbm>>
      tpu.enqueue_dma source(%dma_start3A_152 : memref<40x128xi32, #tpu.memory_space<hbm>>) target(%arg5 : memref<40x128xi32, #tpu.memory_space<vmem>>) target_semaphore(%run_scoped3A_146 : memref<!tpu.dma_semaphore, #tpu.memory_space<semaphore_mem>>)
      %dma_wait3A_153 = arith.constant 0 : i32
      %dma_wait3A_154 = tpu.memref_slice %arg2[%run_scoped3A_35, %add3A_34, %dma_wait3A_153] : memref<2x2560x128xi32, #tpu.memory_space<hbm>> -> memref<1x40x128xi32, #tpu.memory_space<hbm>>
      %dma_wait3A_155 = tpu.memref_squeeze %dma_wait3A_154 : memref<1x40x128xi32, #tpu.memory_space<hbm>> -> memref<40x128xi32, #tpu.memory_space<hbm>>
      %dma_wait3A_156 = arith.constant 0 : i32
      %dma_wait3A_157 = tpu.memref_slice %arg2[%run_scoped3A_35, %add3A_34, %dma_wait3A_156] : memref<2x2560x128xi32, #tpu.memory_space<hbm>> -> memref<1x40x128xi32, #tpu.memory_space<hbm>>
      %dma_wait3A_158 = tpu.memref_squeeze %dma_wait3A_157 : memref<1x40x128xi32, #tpu.memory_space<hbm>> -> memref<40x128xi32, #tpu.memory_space<hbm>>
      tpu.wait_dma2 semaphore(%run_scoped3A_146 : memref<!tpu.dma_semaphore, #tpu.memory_space<semaphore_mem>>) src(%dma_wait3A_158 : memref<40x128xi32, #tpu.memory_space<hbm>>) dst(%arg5 : memref<40x128xi32, #tpu.memory_space<vmem>>)
      tpu.yield
    }) : () -> ()
    %run_scoped3A_36 = arith.constant 1 : i32
    "tpu.region"() ({
      %run_scoped3A_146 = tpu.sem_alloc : memref<!tpu.dma_semaphore, #tpu.memory_space<semaphore_mem>>
      %dma_start3A_147 = arith.constant 0 : i32
      %dma_start3A_148 = tpu.memref_slice %arg2[%run_scoped3A_36, %add3A_34, %dma_start3A_147] : memref<2x2560x128xi32, #tpu.memory_space<hbm>> -> memref<1x40x128xi32, #tpu.memory_space<hbm>>
      %dma_start3A_149 = tpu.memref_squeeze %dma_start3A_148 : memref<1x40x128xi32, #tpu.memory_space<hbm>> -> memref<40x128xi32, #tpu.memory_space<hbm>>
      %dma_start3A_150 = arith.constant 0 : i32
      %dma_start3A_151 = tpu.memref_slice %arg2[%run_scoped3A_36, %add3A_34, %dma_start3A_150] : memref<2x2560x128xi32, #tpu.memory_space<hbm>> -> memref<1x40x128xi32, #tpu.memory_space<hbm>>
      %dma_start3A_152 = tpu.memref_squeeze %dma_start3A_151 : memref<1x40x128xi32, #tpu.memory_space<hbm>> -> memref<40x128xi32, #tpu.memory_space<hbm>>
      tpu.enqueue_dma source(%dma_start3A_152 : memref<40x128xi32, #tpu.memory_space<hbm>>) target(%arg6 : memref<40x128xi32, #tpu.memory_space<vmem>>) target_semaphore(%run_scoped3A_146 : memref<!tpu.dma_semaphore, #tpu.memory_space<semaphore_mem>>)
      %dma_wait3A_153 = arith.constant 0 : i32
      %dma_wait3A_154 = tpu.memref_slice %arg2[%run_scoped3A_36, %add3A_34, %dma_wait3A_153] : memref<2x2560x128xi32, #tpu.memory_space<hbm>> -> memref<1x40x128xi32, #tpu.memory_space<hbm>>
      %dma_wait3A_155 = tpu.memref_squeeze %dma_wait3A_154 : memref<1x40x128xi32, #tpu.memory_space<hbm>> -> memref<40x128xi32, #tpu.memory_space<hbm>>
      %dma_wait3A_156 = arith.constant 0 : i32
      %dma_wait3A_157 = tpu.memref_slice %arg2[%run_scoped3A_36, %add3A_34, %dma_wait3A_156] : memref<2x2560x128xi32, #tpu.memory_space<hbm>> -> memref<1x40x128xi32, #tpu.memory_space<hbm>>
      %dma_wait3A_158 = tpu.memref_squeeze %dma_wait3A_157 : memref<1x40x128xi32, #tpu.memory_space<hbm>> -> memref<40x128xi32, #tpu.memory_space<hbm>>
      tpu.wait_dma2 semaphore(%run_scoped3A_146 : memref<!tpu.dma_semaphore, #tpu.memory_space<semaphore_mem>>) src(%dma_wait3A_158 : memref<40x128xi32, #tpu.memory_space<hbm>>) dst(%arg6 : memref<40x128xi32, #tpu.memory_space<vmem>>)
      tpu.yield
    }) : () -> ()
    %dma_start3A_37 = arith.constant 0 : i32
    %dma_start3A_38 = arith.constant 0 : i32
    %dma_start3A_39 = tpu.memref_slice %arg5[%dma_start3A_37, %dma_start3A_38] : memref<40x128xi32, #tpu.memory_space<vmem>> -> memref<1x128xi32, #tpu.memory_space<vmem>>
    %dma_start3A_40 = tpu.memref_squeeze %dma_start3A_39 : memref<1x128xi32, #tpu.memory_space<vmem>> -> memref<128xi32, #tpu.memory_space<vmem>>
    %dma_start3A_41 = arith.constant 0 : i32
    %dma_start3A_42 = arith.constant 0 : i32
    %dma_start3A_43 = tpu.memref_slice %arg3[%dma_start3A_41, %dma_start3A_42] : memref<10000x128xf32, #tpu.memory_space<hbm>> -> memref<10000x128xf32, #tpu.memory_space<hbm>>
    tpu.enqueue_indirect_dma source(%dma_start3A_43 : memref<10000x128xf32, #tpu.memory_space<hbm>>) target(%arg7 : memref<128x128xf32, #tpu.memory_space<vmem>>) offsets(%dma_start3A_40 : memref<128xi32, #tpu.memory_space<vmem>>) semaphore(%arg11 : memref<!tpu.dma_semaphore, #tpu.memory_space<semaphore_mem>>)
    %dma_start3A_44 = arith.constant 1 : i32
    %dma_start3A_45 = arith.constant 0 : i32
    %dma_start3A_46 = tpu.memref_slice %arg5[%dma_start3A_44, %dma_start3A_45] : memref<40x128xi32, #tpu.memory_space<vmem>> -> memref<1x128xi32, #tpu.memory_space<vmem>>
    %dma_start3A_47 = tpu.memref_squeeze %dma_start3A_46 : memref<1x128xi32, #tpu.memory_space<vmem>> -> memref<128xi32, #tpu.memory_space<vmem>>
    %dma_start3A_48 = arith.constant 0 : i32
    %dma_start3A_49 = arith.constant 0 : i32
    %dma_start3A_50 = tpu.memref_slice %arg3[%dma_start3A_48, %dma_start3A_49] : memref<10000x128xf32, #tpu.memory_space<hbm>> -> memref<10000x128xf32, #tpu.memory_space<hbm>>
    tpu.enqueue_indirect_dma source(%dma_start3A_50 : memref<10000x128xf32, #tpu.memory_space<hbm>>) target(%arg8 : memref<128x128xf32, #tpu.memory_space<vmem>>) offsets(%dma_start3A_47 : memref<128xi32, #tpu.memory_space<vmem>>) semaphore(%arg12 : memref<!tpu.dma_semaphore, #tpu.memory_space<semaphore_mem>>)
    %scan3A_51 = arith.constant 0 : i32
    %scan3A_52 = arith.constant 20 : i32
    %scan3A_53 = arith.addi %scan3A_51, %scan3A_52 : i32
    %scan3A_54 = arith.constant 1 : i32
    scf.for %scan3A_146 = %scan3A_51 to %scan3A_53 step %scan3A_54  : i32 {
      %mul3A_147 = arith.constant 1 : i32
      %mul3A_148 = arith.muli %scan3A_146, %mul3A_147 : i32
      %add3A_149 = arith.constant 0 : i32
      %add3A_150 = arith.addi %add3A_149, %mul3A_148 : i32
      %mul3A_151 = arith.constant 2 : i32
      %mul3A_152 = arith.muli %mul3A_151, %add3A_150 : i32
      %dma_wait3A_153 = arith.constant 0 : i32
      %dma_wait3A_154 = arith.constant 0 : i32
      %dma_wait3A_155 = tpu.memref_slice %arg5[%dma_wait3A_153, %dma_wait3A_154] : memref<40x128xi32, #tpu.memory_space<vmem>> -> memref<1x128xi32, #tpu.memory_space<vmem>>
      %dma_wait3A_156 = tpu.memref_squeeze %dma_wait3A_155 : memref<1x128xi32, #tpu.memory_space<vmem>> -> memref<128xi32, #tpu.memory_space<vmem>>
      %dma_wait3A_157 = arith.constant 0 : i32
      %dma_wait3A_158 = arith.constant 0 : i32
      %dma_wait3A_159 = tpu.memref_slice %arg3[%dma_wait3A_157, %dma_wait3A_158] : memref<10000x128xf32, #tpu.memory_space<hbm>> -> memref<10000x128xf32, #tpu.memory_space<hbm>>
      tpu.wait_indirect_dma semaphore(%arg11 : memref<!tpu.dma_semaphore, #tpu.memory_space<semaphore_mem>>) src(%dma_wait3A_159 : memref<10000x128xf32, #tpu.memory_space<hbm>>) dst(%arg7 : memref<128x128xf32, #tpu.memory_space<vmem>>)
      "tpu.region"() ({
        %run_scoped3A_176 = tpu.sem_alloc : memref<!tpu.dma_semaphore, #tpu.memory_space<semaphore_mem>>
        %dma_start3A_177 = arith.constant 0 : i32
        %dma_start3A_178 = tpu.memref_slice %arg6[%mul3A_152, %dma_start3A_177] : memref<40x128xi32, #tpu.memory_space<vmem>> -> memref<1x128xi32, #tpu.memory_space<vmem>>
        %dma_start3A_179 = tpu.memref_squeeze %dma_start3A_178 : memref<1x128xi32, #tpu.memory_space<vmem>> -> memref<128xi32, #tpu.memory_space<vmem>>
        %dma_start3A_180 = arith.constant 0 : i32
        %dma_start3A_181 = arith.constant 0 : i32
        %dma_start3A_182 = tpu.memref_slice %arg10[%dma_start3A_180, %dma_start3A_181] : memref<10240x128xf32, #tpu.memory_space<vmem_shared>> -> memref<10240x128xf32, #tpu.memory_space<vmem_shared>>
        tpu.enqueue_indirect_dma source(%arg7 : memref<128x128xf32, #tpu.memory_space<vmem>>) target(%dma_start3A_182 : memref<10240x128xf32, #tpu.memory_space<vmem_shared>>) offsets(%dma_start3A_179 : memref<128xi32, #tpu.memory_space<vmem>>) semaphore(%run_scoped3A_176 : memref<!tpu.dma_semaphore, #tpu.memory_space<semaphore_mem>>) {add = true}
        %dma_wait3A_183 = arith.constant 0 : i32
        %dma_wait3A_184 = tpu.memref_slice %arg6[%mul3A_152, %dma_wait3A_183] : memref<40x128xi32, #tpu.memory_space<vmem>> -> memref<1x128xi32, #tpu.memory_space<vmem>>
        %dma_wait3A_185 = tpu.memref_squeeze %dma_wait3A_184 : memref<1x128xi32, #tpu.memory_space<vmem>> -> memref<128xi32, #tpu.memory_space<vmem>>
        %dma_wait3A_186 = arith.constant 0 : i32
        %dma_wait3A_187 = arith.constant 0 : i32
        %dma_wait3A_188 = tpu.memref_slice %arg10[%dma_wait3A_186, %dma_wait3A_187] : memref<10240x128xf32, #tpu.memory_space<vmem_shared>> -> memref<10240x128xf32, #tpu.memory_space<vmem_shared>>
        tpu.wait_indirect_dma semaphore(%run_scoped3A_176 : memref<!tpu.dma_semaphore, #tpu.memory_space<semaphore_mem>>) src(%arg7 : memref<128x128xf32, #tpu.memory_space<vmem>>) dst(%dma_wait3A_188 : memref<10240x128xf32, #tpu.memory_space<vmem_shared>>)
        tpu.yield
      }) : () -> ()
      %lt3A = arith.constant 19 : i32
      %lt3A_160 = arith.cmpi slt, %add3A_150, %lt3A : i32
      %convert_element_type3A = arith.extui %lt3A_160 : i1 to i32
      %cond3A = arith.constant 0 : i32
      %cond3A_161 = arith.cmpi ne, %convert_element_type3A, %cond3A : i32
      scf.if %cond3A_161 {
        %add3A_176 = arith.constant 2 : i32
        %add3A_177 = arith.addi %mul3A_152, %add3A_176 : i32
        %dma_start3A_178 = arith.constant 0 : i32
        %dma_start3A_179 = tpu.memref_slice %arg5[%add3A_177, %dma_start3A_178] : memref<40x128xi32, #tpu.memory_space<vmem>> -> memref<1x128xi32, #tpu.memory_space<vmem>>
        %dma_start3A_180 = tpu.memref_squeeze %dma_start3A_179 : memref<1x128xi32, #tpu.memory_space<vmem>> -> memref<128xi32, #tpu.memory_space<vmem>>
        %dma_start3A_181 = arith.constant 0 : i32
        %dma_start3A_182 = arith.constant 0 : i32
        %dma_start3A_183 = tpu.memref_slice %arg3[%dma_start3A_181, %dma_start3A_182] : memref<10000x128xf32, #tpu.memory_space<hbm>> -> memref<10000x128xf32, #tpu.memory_space<hbm>>
        tpu.enqueue_indirect_dma source(%dma_start3A_183 : memref<10000x128xf32, #tpu.memory_space<hbm>>) target(%arg7 : memref<128x128xf32, #tpu.memory_space<vmem>>) offsets(%dma_start3A_180 : memref<128xi32, #tpu.memory_space<vmem>>) semaphore(%arg11 : memref<!tpu.dma_semaphore, #tpu.memory_space<semaphore_mem>>)
      } else {
      }
      %dma_wait3A_162 = arith.constant 1 : i32
      %dma_wait3A_163 = arith.constant 0 : i32
      %dma_wait3A_164 = tpu.memref_slice %arg5[%dma_wait3A_162, %dma_wait3A_163] : memref<40x128xi32, #tpu.memory_space<vmem>> -> memref<1x128xi32, #tpu.memory_space<vmem>>
      %dma_wait3A_165 = tpu.memref_squeeze %dma_wait3A_164 : memref<1x128xi32, #tpu.memory_space<vmem>> -> memref<128xi32, #tpu.memory_space<vmem>>
      %dma_wait3A_166 = arith.constant 0 : i32
      %dma_wait3A_167 = arith.constant 0 : i32
      %dma_wait3A_168 = tpu.memref_slice %arg3[%dma_wait3A_166, %dma_wait3A_167] : memref<10000x128xf32, #tpu.memory_space<hbm>> -> memref<10000x128xf32, #tpu.memory_space<hbm>>
      tpu.wait_indirect_dma semaphore(%arg12 : memref<!tpu.dma_semaphore, #tpu.memory_space<semaphore_mem>>) src(%dma_wait3A_168 : memref<10000x128xf32, #tpu.memory_space<hbm>>) dst(%arg8 : memref<128x128xf32, #tpu.memory_space<vmem>>)
      %add3A_169 = arith.constant 1 : i32
      %add3A_170 = arith.addi %mul3A_152, %add3A_169 : i32
      "tpu.region"() ({
        %run_scoped3A_176 = tpu.sem_alloc : memref<!tpu.dma_semaphore, #tpu.memory_space<semaphore_mem>>
        %dma_start3A_177 = arith.constant 0 : i32
        %dma_start3A_178 = tpu.memref_slice %arg6[%add3A_170, %dma_start3A_177] : memref<40x128xi32, #tpu.memory_space<vmem>> -> memref<1x128xi32, #tpu.memory_space<vmem>>
        %dma_start3A_179 = tpu.memref_squeeze %dma_start3A_178 : memref<1x128xi32, #tpu.memory_space<vmem>> -> memref<128xi32, #tpu.memory_space<vmem>>
        %dma_start3A_180 = arith.constant 0 : i32
        %dma_start3A_181 = arith.constant 0 : i32
        %dma_start3A_182 = tpu.memref_slice %arg10[%dma_start3A_180, %dma_start3A_181] : memref<10240x128xf32, #tpu.memory_space<vmem_shared>> -> memref<10240x128xf32, #tpu.memory_space<vmem_shared>>
        tpu.enqueue_indirect_dma source(%arg8 : memref<128x128xf32, #tpu.memory_space<vmem>>) target(%dma_start3A_182 : memref<10240x128xf32, #tpu.memory_space<vmem_shared>>) offsets(%dma_start3A_179 : memref<128xi32, #tpu.memory_space<vmem>>) semaphore(%run_scoped3A_176 : memref<!tpu.dma_semaphore, #tpu.memory_space<semaphore_mem>>) {add = true}
        %dma_wait3A_183 = arith.constant 0 : i32
        %dma_wait3A_184 = tpu.memref_slice %arg6[%add3A_170, %dma_wait3A_183] : memref<40x128xi32, #tpu.memory_space<vmem>> -> memref<1x128xi32, #tpu.memory_space<vmem>>
        %dma_wait3A_185 = tpu.memref_squeeze %dma_wait3A_184 : memref<1x128xi32, #tpu.memory_space<vmem>> -> memref<128xi32, #tpu.memory_space<vmem>>
        %dma_wait3A_186 = arith.constant 0 : i32
        %dma_wait3A_187 = arith.constant 0 : i32
        %dma_wait3A_188 = tpu.memref_slice %arg10[%dma_wait3A_186, %dma_wait3A_187] : memref<10240x128xf32, #tpu.memory_space<vmem_shared>> -> memref<10240x128xf32, #tpu.memory_space<vmem_shared>>
        tpu.wait_indirect_dma semaphore(%run_scoped3A_176 : memref<!tpu.dma_semaphore, #tpu.memory_space<semaphore_mem>>) src(%arg8 : memref<128x128xf32, #tpu.memory_space<vmem>>) dst(%dma_wait3A_188 : memref<10240x128xf32, #tpu.memory_space<vmem_shared>>)
        tpu.yield
      }) : () -> ()
      %lt3A_171 = arith.constant 19 : i32
      %lt3A_172 = arith.cmpi slt, %add3A_150, %lt3A_171 : i32
      %convert_element_type3A_173 = arith.extui %lt3A_172 : i1 to i32
      %cond3A_174 = arith.constant 0 : i32
      %cond3A_175 = arith.cmpi ne, %convert_element_type3A_173, %cond3A_174 : i32
      scf.if %cond3A_175 {
        %add3A_176 = arith.constant 3 : i32
        %add3A_177 = arith.addi %mul3A_152, %add3A_176 : i32
        %dma_start3A_178 = arith.constant 0 : i32
        %dma_start3A_179 = tpu.memref_slice %arg5[%add3A_177, %dma_start3A_178] : memref<40x128xi32, #tpu.memory_space<vmem>> -> memref<1x128xi32, #tpu.memory_space<vmem>>
        %dma_start3A_180 = tpu.memref_squeeze %dma_start3A_179 : memref<1x128xi32, #tpu.memory_space<vmem>> -> memref<128xi32, #tpu.memory_space<vmem>>
        %dma_start3A_181 = arith.constant 0 : i32
        %dma_start3A_182 = arith.constant 0 : i32
        %dma_start3A_183 = tpu.memref_slice %arg3[%dma_start3A_181, %dma_start3A_182] : memref<10000x128xf32, #tpu.memory_space<hbm>> -> memref<10000x128xf32, #tpu.memory_space<hbm>>
        tpu.enqueue_indirect_dma source(%dma_start3A_183 : memref<10000x128xf32, #tpu.memory_space<hbm>>) target(%arg8 : memref<128x128xf32, #tpu.memory_space<vmem>>) offsets(%dma_start3A_180 : memref<128xi32, #tpu.memory_space<vmem>>) semaphore(%arg12 : memref<!tpu.dma_semaphore, #tpu.memory_space<semaphore_mem>>)
      } else {
      }
    }
    %scan3A_55 = arith.constant 20 : i32
    %barrier3A_56 = arith.constant 0 : index
    tpu.barrier barrier_id(%barrier3A_56)
    %mul3A_57 = arith.constant 640 : i32
    %mul3A_58 = arith.muli %arg1, %mul3A_57 : i32
    %add3A_59 = arith.constant 0 : i32
    %add3A_60 = arith.addi %mul3A_58, %add3A_59 : i32
    %dma_start3A_61 = arith.constant 0 : i32
    %dma_start3A_62 = tpu.memref_slice %arg4[%arg0, %add3A_60, %dma_start3A_61] : memref<2x10240x128xf32, #tpu.memory_space<hbm>> -> memref<1x128x128xf32, #tpu.memory_space<hbm>>
    %dma_start3A_63 = tpu.memref_squeeze %dma_start3A_62 : memref<1x128x128xf32, #tpu.memory_space<hbm>> -> memref<128x128xf32, #tpu.memory_space<hbm>>
    %dma_start3A_64 = arith.constant 0 : i32
    %dma_start3A_65 = tpu.memref_slice %arg10[%add3A_60, %dma_start3A_64] : memref<10240x128xf32, #tpu.memory_space<vmem_shared>> -> memref<128x128xf32, #tpu.memory_space<vmem_shared>>
    tpu.enqueue_dma source(%dma_start3A_65 : memref<128x128xf32, #tpu.memory_space<vmem_shared>>) target(%dma_start3A_63 : memref<128x128xf32, #tpu.memory_space<hbm>>) target_semaphore(%arg13 : memref<!tpu.dma_semaphore, #tpu.memory_space<semaphore_mem>>)
    %mul3A_66 = arith.constant 640 : i32
    %mul3A_67 = arith.muli %arg1, %mul3A_66 : i32
    %add3A_68 = arith.constant 128 : i32
    %add3A_69 = arith.addi %mul3A_67, %add3A_68 : i32
    %dma_start3A_70 = arith.constant 0 : i32
    %dma_start3A_71 = tpu.memref_slice %arg4[%arg0, %add3A_69, %dma_start3A_70] : memref<2x10240x128xf32, #tpu.memory_space<hbm>> -> memref<1x128x128xf32, #tpu.memory_space<hbm>>
    %dma_start3A_72 = tpu.memref_squeeze %dma_start3A_71 : memref<1x128x128xf32, #tpu.memory_space<hbm>> -> memref<128x128xf32, #tpu.memory_space<hbm>>
    %dma_start3A_73 = arith.constant 0 : i32
    %dma_start3A_74 = tpu.memref_slice %arg10[%add3A_69, %dma_start3A_73] : memref<10240x128xf32, #tpu.memory_space<vmem_shared>> -> memref<128x128xf32, #tpu.memory_space<vmem_shared>>
    tpu.enqueue_dma source(%dma_start3A_74 : memref<128x128xf32, #tpu.memory_space<vmem_shared>>) target(%dma_start3A_72 : memref<128x128xf32, #tpu.memory_space<hbm>>) target_semaphore(%arg13 : memref<!tpu.dma_semaphore, #tpu.memory_space<semaphore_mem>>)
    %mul3A_75 = arith.constant 640 : i32
    %mul3A_76 = arith.muli %arg1, %mul3A_75 : i32
    %add3A_77 = arith.constant 256 : i32
    %add3A_78 = arith.addi %mul3A_76, %add3A_77 : i32
    %dma_start3A_79 = arith.constant 0 : i32
    %dma_start3A_80 = tpu.memref_slice %arg4[%arg0, %add3A_78, %dma_start3A_79] : memref<2x10240x128xf32, #tpu.memory_space<hbm>> -> memref<1x128x128xf32, #tpu.memory_space<hbm>>
    %dma_start3A_81 = tpu.memref_squeeze %dma_start3A_80 : memref<1x128x128xf32, #tpu.memory_space<hbm>> -> memref<128x128xf32, #tpu.memory_space<hbm>>
    %dma_start3A_82 = arith.constant 0 : i32
    %dma_start3A_83 = tpu.memref_slice %arg10[%add3A_78, %dma_start3A_82] : memref<10240x128xf32, #tpu.memory_space<vmem_shared>> -> memref<128x128xf32, #tpu.memory_space<vmem_shared>>
    tpu.enqueue_dma source(%dma_start3A_83 : memref<128x128xf32, #tpu.memory_space<vmem_shared>>) target(%dma_start3A_81 : memref<128x128xf32, #tpu.memory_space<hbm>>) target_semaphore(%arg13 : memref<!tpu.dma_semaphore, #tpu.memory_space<semaphore_mem>>)
    %mul3A_84 = arith.constant 640 : i32
    %mul3A_85 = arith.muli %arg1, %mul3A_84 : i32
    %add3A_86 = arith.constant 384 : i32
    %add3A_87 = arith.addi %mul3A_85, %add3A_86 : i32
    %dma_start3A_88 = arith.constant 0 : i32
    %dma_start3A_89 = tpu.memref_slice %arg4[%arg0, %add3A_87, %dma_start3A_88] : memref<2x10240x128xf32, #tpu.memory_space<hbm>> -> memref<1x128x128xf32, #tpu.memory_space<hbm>>
    %dma_start3A_90 = tpu.memref_squeeze %dma_start3A_89 : memref<1x128x128xf32, #tpu.memory_space<hbm>> -> memref<128x128xf32, #tpu.memory_space<hbm>>
    %dma_start3A_91 = arith.constant 0 : i32
    %dma_start3A_92 = tpu.memref_slice %arg10[%add3A_87, %dma_start3A_91] : memref<10240x128xf32, #tpu.memory_space<vmem_shared>> -> memref<128x128xf32, #tpu.memory_space<vmem_shared>>
    tpu.enqueue_dma source(%dma_start3A_92 : memref<128x128xf32, #tpu.memory_space<vmem_shared>>) target(%dma_start3A_90 : memref<128x128xf32, #tpu.memory_space<hbm>>) target_semaphore(%arg13 : memref<!tpu.dma_semaphore, #tpu.memory_space<semaphore_mem>>)
    %mul3A_93 = arith.constant 640 : i32
    %mul3A_94 = arith.muli %arg1, %mul3A_93 : i32
    %add3A_95 = arith.constant 512 : i32
    %add3A_96 = arith.addi %mul3A_94, %add3A_95 : i32
    %dma_start3A_97 = arith.constant 0 : i32
    %dma_start3A_98 = tpu.memref_slice %arg4[%arg0, %add3A_96, %dma_start3A_97] : memref<2x10240x128xf32, #tpu.memory_space<hbm>> -> memref<1x128x128xf32, #tpu.memory_space<hbm>>
    %dma_start3A_99 = tpu.memref_squeeze %dma_start3A_98 : memref<1x128x128xf32, #tpu.memory_space<hbm>> -> memref<128x128xf32, #tpu.memory_space<hbm>>
    %dma_start3A_100 = arith.constant 0 : i32
    %dma_start3A_101 = tpu.memref_slice %arg10[%add3A_96, %dma_start3A_100] : memref<10240x128xf32, #tpu.memory_space<vmem_shared>> -> memref<128x128xf32, #tpu.memory_space<vmem_shared>>
    tpu.enqueue_dma source(%dma_start3A_101 : memref<128x128xf32, #tpu.memory_space<vmem_shared>>) target(%dma_start3A_99 : memref<128x128xf32, #tpu.memory_space<hbm>>) target_semaphore(%arg13 : memref<!tpu.dma_semaphore, #tpu.memory_space<semaphore_mem>>)
    %mul3A_102 = arith.constant 640 : i32
    %mul3A_103 = arith.muli %arg1, %mul3A_102 : i32
    %add3A_104 = arith.constant 0 : i32
    %add3A_105 = arith.addi %mul3A_103, %add3A_104 : i32
    %dma_wait3A = arith.constant 0 : i32
    %dma_wait3A_106 = tpu.memref_slice %arg4[%arg0, %add3A_105, %dma_wait3A] : memref<2x10240x128xf32, #tpu.memory_space<hbm>> -> memref<1x128x128xf32, #tpu.memory_space<hbm>>
    %dma_wait3A_107 = tpu.memref_squeeze %dma_wait3A_106 : memref<1x128x128xf32, #tpu.memory_space<hbm>> -> memref<128x128xf32, #tpu.memory_space<hbm>>
    %dma_wait3A_108 = arith.constant 0 : i32
    %dma_wait3A_109 = tpu.memref_slice %arg10[%add3A_105, %dma_wait3A_108] : memref<10240x128xf32, #tpu.memory_space<vmem_shared>> -> memref<128x128xf32, #tpu.memory_space<vmem_shared>>
    tpu.wait_dma2 semaphore(%arg13 : memref<!tpu.dma_semaphore, #tpu.memory_space<semaphore_mem>>) src(%dma_wait3A_109 : memref<128x128xf32, #tpu.memory_space<vmem_shared>>) dst(%dma_wait3A_107 : memref<128x128xf32, #tpu.memory_space<hbm>>)
    %mul3A_110 = arith.constant 640 : i32
    %mul3A_111 = arith.muli %arg1, %mul3A_110 : i32
    %add3A_112 = arith.constant 128 : i32
    %add3A_113 = arith.addi %mul3A_111, %add3A_112 : i32
    %dma_wait3A_114 = arith.constant 0 : i32
    %dma_wait3A_115 = tpu.memref_slice %arg4[%arg0, %add3A_113, %dma_wait3A_114] : memref<2x10240x128xf32, #tpu.memory_space<hbm>> -> memref<1x128x128xf32, #tpu.memory_space<hbm>>
    %dma_wait3A_116 = tpu.memref_squeeze %dma_wait3A_115 : memref<1x128x128xf32, #tpu.memory_space<hbm>> -> memref<128x128xf32, #tpu.memory_space<hbm>>
    %dma_wait3A_117 = arith.constant 0 : i32
    %dma_wait3A_118 = tpu.memref_slice %arg10[%add3A_113, %dma_wait3A_117] : memref<10240x128xf32, #tpu.memory_space<vmem_shared>> -> memref<128x128xf32, #tpu.memory_space<vmem_shared>>
    tpu.wait_dma2 semaphore(%arg13 : memref<!tpu.dma_semaphore, #tpu.memory_space<semaphore_mem>>) src(%dma_wait3A_118 : memref<128x128xf32, #tpu.memory_space<vmem_shared>>) dst(%dma_wait3A_116 : memref<128x128xf32, #tpu.memory_space<hbm>>)
    %mul3A_119 = arith.constant 640 : i32
    %mul3A_120 = arith.muli %arg1, %mul3A_119 : i32
    %add3A_121 = arith.constant 256 : i32
    %add3A_122 = arith.addi %mul3A_120, %add3A_121 : i32
    %dma_wait3A_123 = arith.constant 0 : i32
    %dma_wait3A_124 = tpu.memref_slice %arg4[%arg0, %add3A_122, %dma_wait3A_123] : memref<2x10240x128xf32, #tpu.memory_space<hbm>> -> memref<1x128x128xf32, #tpu.memory_space<hbm>>
    %dma_wait3A_125 = tpu.memref_squeeze %dma_wait3A_124 : memref<1x128x128xf32, #tpu.memory_space<hbm>> -> memref<128x128xf32, #tpu.memory_space<hbm>>
    %dma_wait3A_126 = arith.constant 0 : i32
    %dma_wait3A_127 = tpu.memref_slice %arg10[%add3A_122, %dma_wait3A_126] : memref<10240x128xf32, #tpu.memory_space<vmem_shared>> -> memref<128x128xf32, #tpu.memory_space<vmem_shared>>
    tpu.wait_dma2 semaphore(%arg13 : memref<!tpu.dma_semaphore, #tpu.memory_space<semaphore_mem>>) src(%dma_wait3A_127 : memref<128x128xf32, #tpu.memory_space<vmem_shared>>) dst(%dma_wait3A_125 : memref<128x128xf32, #tpu.memory_space<hbm>>)
    %mul3A_128 = arith.constant 640 : i32
    %mul3A_129 = arith.muli %arg1, %mul3A_128 : i32
    %add3A_130 = arith.constant 384 : i32
    %add3A_131 = arith.addi %mul3A_129, %add3A_130 : i32
    %dma_wait3A_132 = arith.constant 0 : i32
    %dma_wait3A_133 = tpu.memref_slice %arg4[%arg0, %add3A_131, %dma_wait3A_132] : memref<2x10240x128xf32, #tpu.memory_space<hbm>> -> memref<1x128x128xf32, #tpu.memory_space<hbm>>
    %dma_wait3A_134 = tpu.memref_squeeze %dma_wait3A_133 : memref<1x128x128xf32, #tpu.memory_space<hbm>> -> memref<128x128xf32, #tpu.memory_space<hbm>>
    %dma_wait3A_135 = arith.constant 0 : i32
    %dma_wait3A_136 = tpu.memref_slice %arg10[%add3A_131, %dma_wait3A_135] : memref<10240x128xf32, #tpu.memory_space<vmem_shared>> -> memref<128x128xf32, #tpu.memory_space<vmem_shared>>
    tpu.wait_dma2 semaphore(%arg13 : memref<!tpu.dma_semaphore, #tpu.memory_space<semaphore_mem>>) src(%dma_wait3A_136 : memref<128x128xf32, #tpu.memory_space<vmem_shared>>) dst(%dma_wait3A_134 : memref<128x128xf32, #tpu.memory_space<hbm>>)
    %mul3A_137 = arith.constant 640 : i32
    %mul3A_138 = arith.muli %arg1, %mul3A_137 : i32
    %add3A_139 = arith.constant 512 : i32
    %add3A_140 = arith.addi %mul3A_138, %add3A_139 : i32
    %dma_wait3A_141 = arith.constant 0 : i32
    %dma_wait3A_142 = tpu.memref_slice %arg4[%arg0, %add3A_140, %dma_wait3A_141] : memref<2x10240x128xf32, #tpu.memory_space<hbm>> -> memref<1x128x128xf32, #tpu.memory_space<hbm>>
    %dma_wait3A_143 = tpu.memref_squeeze %dma_wait3A_142 : memref<1x128x128xf32, #tpu.memory_space<hbm>> -> memref<128x128xf32, #tpu.memory_space<hbm>>
    %dma_wait3A_144 = arith.constant 0 : i32
    %dma_wait3A_145 = tpu.memref_slice %arg10[%add3A_140, %dma_wait3A_144] : memref<10240x128xf32, #tpu.memory_space<vmem_shared>> -> memref<128x128xf32, #tpu.memory_space<vmem_shared>>
    tpu.wait_dma2 semaphore(%arg13 : memref<!tpu.dma_semaphore, #tpu.memory_space<semaphore_mem>>) src(%dma_wait3A_145 : memref<128x128xf32, #tpu.memory_space<vmem_shared>>) dst(%dma_wait3A_143 : memref<128x128xf32, #tpu.memory_space<hbm>>)
    return
  }
}

#map = affine_map<(d0, d1) -> (0, 0, 0)>
module attributes {stable_mosaic.version = 14 : i64} {
  func.func @deg_kernel(%arg0: i32, %arg1: i32, %arg2: memref<2x2560x128xi32, #tpu.memory_space<hbm>>, %arg3: memref<2x10240x16xf32, #tpu.memory_space<hbm>>, %arg4: memref<80x128xi32, #tpu.memory_space<vmem>>, %arg5: memref<128xf32, #tpu.memory_space<vmem>>, %arg6: memref<656xf32, #tpu.memory_space<vmem>>, %arg7: memref<640x16xf32, #tpu.memory_space<vmem>>, %arg8: memref<10240xf32, #tpu.memory_space<vmem_shared>>, %arg9: memref<!tpu.dma_semaphore, #tpu.memory_space<semaphore_mem>>) attributes {dimension_semantics = [#tpu.dimension_semantics<core_parallel>, #tpu.dimension_semantics<subcore_parallel>], iteration_bounds = array<i64: 2, 16>, scalar_prefetch = 0 : i64, scratch_operands = 6 : i64, tpu.core_type = #tpu.core_type<sc_vector_subcore>, window_params = [{transform_indices = #map}, {transform_indices = #map}]} {
    %scan3A = arith.constant 0 : i32
    %scan3A_0 = arith.constant 41 : i32
    %scan3A_1 = arith.addi %scan3A, %scan3A_0 : i32
    %scan3A_2 = arith.constant 1 : i32
    scf.for %scan3A_27 = %scan3A to %scan3A_1 step %scan3A_2  : i32 {
      %mul3A_28 = arith.constant 1 : i32
      %mul3A_29 = arith.muli %scan3A_27, %mul3A_28 : i32
      %add3A_30 = arith.constant 0 : i32
      %add3A_31 = arith.addi %add3A_30, %mul3A_29 : i32
      %broadcast_in_dim3A = arith.constant 0.000000e+00 : f32
      %broadcast_in_dim3A_32 = vector.broadcast %broadcast_in_dim3A : f32 to vector<16xf32>
      %mul3A_33 = arith.constant 16 : i32
      %mul3A_34 = arith.muli %add3A_31, %mul3A_33 : i32
      %swap3A = arith.index_cast %mul3A_34 : i32 to index
      %swap3A_35 = tpu.vector_load %arg6[%swap3A] {strides = array<i32>} : memref<656xf32, #tpu.memory_space<vmem>>, vector<16xf32>,
      %swap3A_36 = vector.shape_cast %swap3A_35 : vector<16xf32> to vector<16xf32>
      %swap3A_37 = vector.shape_cast %broadcast_in_dim3A_32 : vector<16xf32> to vector<16xf32>
      tpu.vector_store %arg6[%swap3A], %swap3A_37 {strides = array<i32>} : memref<656xf32, #tpu.memory_space<vmem>>, vector<16xf32>,
    }
    %scan3A_3 = arith.constant 41 : i32
    %scan3A_4 = arith.constant 0 : i32
    %scan3A_5 = arith.constant 8 : i32
    %scan3A_6 = arith.addi %scan3A_4, %scan3A_5 : i32
    %scan3A_7 = arith.constant 1 : i32
    scf.for %scan3A_27 = %scan3A_4 to %scan3A_6 step %scan3A_7  : i32 {
      %mul3A_28 = arith.constant 1 : i32
      %mul3A_29 = arith.muli %scan3A_27, %mul3A_28 : i32
      %add3A_30 = arith.constant 0 : i32
      %add3A_31 = arith.addi %add3A_30, %mul3A_29 : i32
      %broadcast_in_dim3A = arith.constant 1.000000e+00 : f32
      %broadcast_in_dim3A_32 = vector.broadcast %broadcast_in_dim3A : f32 to vector<16xf32>
      %mul3A_33 = arith.constant 16 : i32
      %mul3A_34 = arith.muli %add3A_31, %mul3A_33 : i32
      %swap3A = arith.index_cast %mul3A_34 : i32 to index
      %swap3A_35 = tpu.vector_load %arg5[%swap3A] {strides = array<i32>} : memref<128xf32, #tpu.memory_space<vmem>>, vector<16xf32>,
      %swap3A_36 = vector.shape_cast %swap3A_35 : vector<16xf32> to vector<16xf32>
      %swap3A_37 = vector.shape_cast %broadcast_in_dim3A_32 : vector<16xf32> to vector<16xf32>
      tpu.vector_store %arg5[%swap3A], %swap3A_37 {strides = array<i32>} : memref<128xf32, #tpu.memory_space<vmem>>, vector<16xf32>,
    }
    %scan3A_8 = arith.constant 8 : i32
    %mul3A = arith.constant 640 : i32
    %mul3A_9 = arith.muli %arg1, %mul3A : i32
    "tpu.region"() ({
      %run_scoped3A_27 = tpu.sem_alloc : memref<!tpu.dma_semaphore, #tpu.memory_space<semaphore_mem>>
      %dma_start3A = arith.constant 0 : i32
      %dma_start3A_28 = tpu.memref_slice %arg6[%dma_start3A] : memref<656xf32, #tpu.memory_space<vmem>> -> memref<640xf32, #tpu.memory_space<vmem>>
      %dma_start3A_29 = tpu.memref_slice %arg8[%mul3A_9] : memref<10240xf32, #tpu.memory_space<vmem_shared>> -> memref<640xf32, #tpu.memory_space<vmem_shared>>
      %dma_start3A_30 = tpu.memref_slice %arg8[%mul3A_9] : memref<10240xf32, #tpu.memory_space<vmem_shared>> -> memref<640xf32, #tpu.memory_space<vmem_shared>>
      %dma_start3A_31 = arith.constant 0 : i32
      %dma_start3A_32 = tpu.memref_slice %arg6[%dma_start3A_31] : memref<656xf32, #tpu.memory_space<vmem>> -> memref<640xf32, #tpu.memory_space<vmem>>
      tpu.enqueue_dma source(%dma_start3A_32 : memref<640xf32, #tpu.memory_space<vmem>>) target(%dma_start3A_30 : memref<640xf32, #tpu.memory_space<vmem_shared>>) target_semaphore(%run_scoped3A_27 : memref<!tpu.dma_semaphore, #tpu.memory_space<semaphore_mem>>)
      %dma_wait3A = arith.constant 0 : i32
      %dma_wait3A_33 = tpu.memref_slice %arg6[%dma_wait3A] : memref<656xf32, #tpu.memory_space<vmem>> -> memref<640xf32, #tpu.memory_space<vmem>>
      %dma_wait3A_34 = tpu.memref_slice %arg8[%mul3A_9] : memref<10240xf32, #tpu.memory_space<vmem_shared>> -> memref<640xf32, #tpu.memory_space<vmem_shared>>
      %dma_wait3A_35 = tpu.memref_slice %arg8[%mul3A_9] : memref<10240xf32, #tpu.memory_space<vmem_shared>> -> memref<640xf32, #tpu.memory_space<vmem_shared>>
      %dma_wait3A_36 = arith.constant 0 : i32
      %dma_wait3A_37 = tpu.memref_slice %arg6[%dma_wait3A_36] : memref<656xf32, #tpu.memory_space<vmem>> -> memref<640xf32, #tpu.memory_space<vmem>>
      tpu.wait_dma2 semaphore(%run_scoped3A_27 : memref<!tpu.dma_semaphore, #tpu.memory_space<semaphore_mem>>) src(%dma_wait3A_37 : memref<640xf32, #tpu.memory_space<vmem>>) dst(%dma_wait3A_35 : memref<640xf32, #tpu.memory_space<vmem_shared>>)
      tpu.yield
    }) : () -> ()
    %barrier3A = arith.constant 0 : index
    tpu.barrier barrier_id(%barrier3A)
    %mul3A_10 = arith.constant 16 : i32
    %mul3A_11 = arith.muli %arg0, %mul3A_10 : i32
    %add3A = arith.addi %mul3A_11, %arg1 : i32
    %mul3A_12 = arith.constant 80 : i32
    %mul3A_13 = arith.muli %add3A, %mul3A_12 : i32
    %run_scoped3A = arith.constant 1 : i32
    "tpu.region"() ({
      %run_scoped3A_27 = tpu.sem_alloc : memref<!tpu.dma_semaphore, #tpu.memory_space<semaphore_mem>>
      %dma_start3A = arith.constant 0 : i32
      %dma_start3A_28 = tpu.memref_slice %arg2[%run_scoped3A, %mul3A_13, %dma_start3A] : memref<2x2560x128xi32, #tpu.memory_space<hbm>> -> memref<1x80x128xi32, #tpu.memory_space<hbm>>
      %dma_start3A_29 = tpu.memref_squeeze %dma_start3A_28 : memref<1x80x128xi32, #tpu.memory_space<hbm>> -> memref<80x128xi32, #tpu.memory_space<hbm>>
      %dma_start3A_30 = arith.constant 0 : i32
      %dma_start3A_31 = tpu.memref_slice %arg2[%run_scoped3A, %mul3A_13, %dma_start3A_30] : memref<2x2560x128xi32, #tpu.memory_space<hbm>> -> memref<1x80x128xi32, #tpu.memory_space<hbm>>
      %dma_start3A_32 = tpu.memref_squeeze %dma_start3A_31 : memref<1x80x128xi32, #tpu.memory_space<hbm>> -> memref<80x128xi32, #tpu.memory_space<hbm>>
      tpu.enqueue_dma source(%dma_start3A_32 : memref<80x128xi32, #tpu.memory_space<hbm>>) target(%arg4 : memref<80x128xi32, #tpu.memory_space<vmem>>) target_semaphore(%run_scoped3A_27 : memref<!tpu.dma_semaphore, #tpu.memory_space<semaphore_mem>>)
      %dma_wait3A = arith.constant 0 : i32
      %dma_wait3A_33 = tpu.memref_slice %arg2[%run_scoped3A, %mul3A_13, %dma_wait3A] : memref<2x2560x128xi32, #tpu.memory_space<hbm>> -> memref<1x80x128xi32, #tpu.memory_space<hbm>>
      %dma_wait3A_34 = tpu.memref_squeeze %dma_wait3A_33 : memref<1x80x128xi32, #tpu.memory_space<hbm>> -> memref<80x128xi32, #tpu.memory_space<hbm>>
      %dma_wait3A_35 = arith.constant 0 : i32
      %dma_wait3A_36 = tpu.memref_slice %arg2[%run_scoped3A, %mul3A_13, %dma_wait3A_35] : memref<2x2560x128xi32, #tpu.memory_space<hbm>> -> memref<1x80x128xi32, #tpu.memory_space<hbm>>
      %dma_wait3A_37 = tpu.memref_squeeze %dma_wait3A_36 : memref<1x80x128xi32, #tpu.memory_space<hbm>> -> memref<80x128xi32, #tpu.memory_space<hbm>>
      tpu.wait_dma2 semaphore(%run_scoped3A_27 : memref<!tpu.dma_semaphore, #tpu.memory_space<semaphore_mem>>) src(%dma_wait3A_37 : memref<80x128xi32, #tpu.memory_space<hbm>>) dst(%arg4 : memref<80x128xi32, #tpu.memory_space<vmem>>)
      tpu.yield
    }) : () -> ()
    %scan3A_14 = arith.constant 0 : i32
    %scan3A_15 = arith.constant 5 : i32
    %scan3A_16 = arith.addi %scan3A_14, %scan3A_15 : i32
    %scan3A_17 = arith.constant 1 : i32
    scf.for %scan3A_27 = %scan3A_14 to %scan3A_16 step %scan3A_17  : i32 {
      %mul3A_28 = arith.constant 1 : i32
      %mul3A_29 = arith.muli %scan3A_27, %mul3A_28 : i32
      %add3A_30 = arith.constant 0 : i32
      %add3A_31 = arith.addi %add3A_30, %mul3A_29 : i32
      %mul3A_32 = arith.constant 16 : i32
      %mul3A_33 = arith.muli %add3A_31, %mul3A_32 : i32
      %add3A_34 = arith.constant 0 : i32
      %add3A_35 = arith.addi %mul3A_33, %add3A_34 : i32
      %dma_start3A = arith.constant 0 : i32
      %dma_start3A_36 = tpu.memref_slice %arg4[%add3A_35, %dma_start3A] : memref<80x128xi32, #tpu.memory_space<vmem>> -> memref<1x128xi32, #tpu.memory_space<vmem>>
      %dma_start3A_37 = tpu.memref_squeeze %dma_start3A_36 : memref<1x128xi32, #tpu.memory_space<vmem>> -> memref<128xi32, #tpu.memory_space<vmem>>
      %dma_start3A_38 = arith.constant 0 : i32
      %dma_start3A_39 = tpu.memref_slice %arg8[%dma_start3A_38] : memref<10240xf32, #tpu.memory_space<vmem_shared>> -> memref<10240xf32, #tpu.memory_space<vmem_shared>>
      tpu.enqueue_indirect_dma source(%arg5 : memref<128xf32, #tpu.memory_space<vmem>>) target(%dma_start3A_39 : memref<10240xf32, #tpu.memory_space<vmem_shared>>) offsets(%dma_start3A_37 : memref<128xi32, #tpu.memory_space<vmem>>) semaphore(%arg9 : memref<!tpu.dma_semaphore, #tpu.memory_space<semaphore_mem>>) {add = true}
      %mul3A_40 = arith.constant 16 : i32
      %mul3A_41 = arith.muli %add3A_31, %mul3A_40 : i32
      %add3A_42 = arith.constant 1 : i32
      %add3A_43 = arith.addi %mul3A_41, %add3A_42 : i32
      %dma_start3A_44 = arith.constant 0 : i32
      %dma_start3A_45 = tpu.memref_slice %arg4[%add3A_43, %dma_start3A_44] : memref<80x128xi32, #tpu.memory_space<vmem>> -> memref<1x128xi32, #tpu.memory_space<vmem>>
      %dma_start3A_46 = tpu.memref_squeeze %dma_start3A_45 : memref<1x128xi32, #tpu.memory_space<vmem>> -> memref<128xi32, #tpu.memory_space<vmem>>
      %dma_start3A_47 = arith.constant 0 : i32
      %dma_start3A_48 = tpu.memref_slice %arg8[%dma_start3A_47] : memref<10240xf32, #tpu.memory_space<vmem_shared>> -> memref<10240xf32, #tpu.memory_space<vmem_shared>>
      tpu.enqueue_indirect_dma source(%arg5 : memref<128xf32, #tpu.memory_space<vmem>>) target(%dma_start3A_48 : memref<10240xf32, #tpu.memory_space<vmem_shared>>) offsets(%dma_start3A_46 : memref<128xi32, #tpu.memory_space<vmem>>) semaphore(%arg9 : memref<!tpu.dma_semaphore, #tpu.memory_space<semaphore_mem>>) {add = true}
      %mul3A_49 = arith.constant 16 : i32
      %mul3A_50 = arith.muli %add3A_31, %mul3A_49 : i32
      %add3A_51 = arith.constant 2 : i32
      %add3A_52 = arith.addi %mul3A_50, %add3A_51 : i32
      %dma_start3A_53 = arith.constant 0 : i32
      %dma_start3A_54 = tpu.memref_slice %arg4[%add3A_52, %dma_start3A_53] : memref<80x128xi32, #tpu.memory_space<vmem>> -> memref<1x128xi32, #tpu.memory_space<vmem>>
      %dma_start3A_55 = tpu.memref_squeeze %dma_start3A_54 : memref<1x128xi32, #tpu.memory_space<vmem>> -> memref<128xi32, #tpu.memory_space<vmem>>
      %dma_start3A_56 = arith.constant 0 : i32
      %dma_start3A_57 = tpu.memref_slice %arg8[%dma_start3A_56] : memref<10240xf32, #tpu.memory_space<vmem_shared>> -> memref<10240xf32, #tpu.memory_space<vmem_shared>>
      tpu.enqueue_indirect_dma source(%arg5 : memref<128xf32, #tpu.memory_space<vmem>>) target(%dma_start3A_57 : memref<10240xf32, #tpu.memory_space<vmem_shared>>) offsets(%dma_start3A_55 : memref<128xi32, #tpu.memory_space<vmem>>) semaphore(%arg9 : memref<!tpu.dma_semaphore, #tpu.memory_space<semaphore_mem>>) {add = true}
      %mul3A_58 = arith.constant 16 : i32
      %mul3A_59 = arith.muli %add3A_31, %mul3A_58 : i32
      %add3A_60 = arith.constant 3 : i32
      %add3A_61 = arith.addi %mul3A_59, %add3A_60 : i32
      %dma_start3A_62 = arith.constant 0 : i32
      %dma_start3A_63 = tpu.memref_slice %arg4[%add3A_61, %dma_start3A_62] : memref<80x128xi32, #tpu.memory_space<vmem>> -> memref<1x128xi32, #tpu.memory_space<vmem>>
      %dma_start3A_64 = tpu.memref_squeeze %dma_start3A_63 : memref<1x128xi32, #tpu.memory_space<vmem>> -> memref<128xi32, #tpu.memory_space<vmem>>
      %dma_start3A_65 = arith.constant 0 : i32
      %dma_start3A_66 = tpu.memref_slice %arg8[%dma_start3A_65] : memref<10240xf32, #tpu.memory_space<vmem_shared>> -> memref<10240xf32, #tpu.memory_space<vmem_shared>>
      tpu.enqueue_indirect_dma source(%arg5 : memref<128xf32, #tpu.memory_space<vmem>>) target(%dma_start3A_66 : memref<10240xf32, #tpu.memory_space<vmem_shared>>) offsets(%dma_start3A_64 : memref<128xi32, #tpu.memory_space<vmem>>) semaphore(%arg9 : memref<!tpu.dma_semaphore, #tpu.memory_space<semaphore_mem>>) {add = true}
      %mul3A_67 = arith.constant 16 : i32
      %mul3A_68 = arith.muli %add3A_31, %mul3A_67 : i32
      %add3A_69 = arith.constant 4 : i32
      %add3A_70 = arith.addi %mul3A_68, %add3A_69 : i32
      %dma_start3A_71 = arith.constant 0 : i32
      %dma_start3A_72 = tpu.memref_slice %arg4[%add3A_70, %dma_start3A_71] : memref<80x128xi32, #tpu.memory_space<vmem>> -> memref<1x128xi32, #tpu.memory_space<vmem>>
      %dma_start3A_73 = tpu.memref_squeeze %dma_start3A_72 : memref<1x128xi32, #tpu.memory_space<vmem>> -> memref<128xi32, #tpu.memory_space<vmem>>
      %dma_start3A_74 = arith.constant 0 : i32
      %dma_start3A_75 = tpu.memref_slice %arg8[%dma_start3A_74] : memref<10240xf32, #tpu.memory_space<vmem_shared>> -> memref<10240xf32, #tpu.memory_space<vmem_shared>>
      tpu.enqueue_indirect_dma source(%arg5 : memref<128xf32, #tpu.memory_space<vmem>>) target(%dma_start3A_75 : memref<10240xf32, #tpu.memory_space<vmem_shared>>) offsets(%dma_start3A_73 : memref<128xi32, #tpu.memory_space<vmem>>) semaphore(%arg9 : memref<!tpu.dma_semaphore, #tpu.memory_space<semaphore_mem>>) {add = true}
      %mul3A_76 = arith.constant 16 : i32
      %mul3A_77 = arith.muli %add3A_31, %mul3A_76 : i32
      %add3A_78 = arith.constant 5 : i32
      %add3A_79 = arith.addi %mul3A_77, %add3A_78 : i32
      %dma_start3A_80 = arith.constant 0 : i32
      %dma_start3A_81 = tpu.memref_slice %arg4[%add3A_79, %dma_start3A_80] : memref<80x128xi32, #tpu.memory_space<vmem>> -> memref<1x128xi32, #tpu.memory_space<vmem>>
      %dma_start3A_82 = tpu.memref_squeeze %dma_start3A_81 : memref<1x128xi32, #tpu.memory_space<vmem>> -> memref<128xi32, #tpu.memory_space<vmem>>
      %dma_start3A_83 = arith.constant 0 : i32
      %dma_start3A_84 = tpu.memref_slice %arg8[%dma_start3A_83] : memref<10240xf32, #tpu.memory_space<vmem_shared>> -> memref<10240xf32, #tpu.memory_space<vmem_shared>>
      tpu.enqueue_indirect_dma source(%arg5 : memref<128xf32, #tpu.memory_space<vmem>>) target(%dma_start3A_84 : memref<10240xf32, #tpu.memory_space<vmem_shared>>) offsets(%dma_start3A_82 : memref<128xi32, #tpu.memory_space<vmem>>) semaphore(%arg9 : memref<!tpu.dma_semaphore, #tpu.memory_space<semaphore_mem>>) {add = true}
      %mul3A_85 = arith.constant 16 : i32
      %mul3A_86 = arith.muli %add3A_31, %mul3A_85 : i32
      %add3A_87 = arith.constant 6 : i32
      %add3A_88 = arith.addi %mul3A_86, %add3A_87 : i32
      %dma_start3A_89 = arith.constant 0 : i32
      %dma_start3A_90 = tpu.memref_slice %arg4[%add3A_88, %dma_start3A_89] : memref<80x128xi32, #tpu.memory_space<vmem>> -> memref<1x128xi32, #tpu.memory_space<vmem>>
      %dma_start3A_91 = tpu.memref_squeeze %dma_start3A_90 : memref<1x128xi32, #tpu.memory_space<vmem>> -> memref<128xi32, #tpu.memory_space<vmem>>
      %dma_start3A_92 = arith.constant 0 : i32
      %dma_start3A_93 = tpu.memref_slice %arg8[%dma_start3A_92] : memref<10240xf32, #tpu.memory_space<vmem_shared>> -> memref<10240xf32, #tpu.memory_space<vmem_shared>>
      tpu.enqueue_indirect_dma source(%arg5 : memref<128xf32, #tpu.memory_space<vmem>>) target(%dma_start3A_93 : memref<10240xf32, #tpu.memory_space<vmem_shared>>) offsets(%dma_start3A_91 : memref<128xi32, #tpu.memory_space<vmem>>) semaphore(%arg9 : memref<!tpu.dma_semaphore, #tpu.memory_space<semaphore_mem>>) {add = true}
      %mul3A_94 = arith.constant 16 : i32
      %mul3A_95 = arith.muli %add3A_31, %mul3A_94 : i32
      %add3A_96 = arith.constant 7 : i32
      %add3A_97 = arith.addi %mul3A_95, %add3A_96 : i32
      %dma_start3A_98 = arith.constant 0 : i32
      %dma_start3A_99 = tpu.memref_slice %arg4[%add3A_97, %dma_start3A_98] : memref<80x128xi32, #tpu.memory_space<vmem>> -> memref<1x128xi32, #tpu.memory_space<vmem>>
      %dma_start3A_100 = tpu.memref_squeeze %dma_start3A_99 : memref<1x128xi32, #tpu.memory_space<vmem>> -> memref<128xi32, #tpu.memory_space<vmem>>
      %dma_start3A_101 = arith.constant 0 : i32
      %dma_start3A_102 = tpu.memref_slice %arg8[%dma_start3A_101] : memref<10240xf32, #tpu.memory_space<vmem_shared>> -> memref<10240xf32, #tpu.memory_space<vmem_shared>>
      tpu.enqueue_indirect_dma source(%arg5 : memref<128xf32, #tpu.memory_space<vmem>>) target(%dma_start3A_102 : memref<10240xf32, #tpu.memory_space<vmem_shared>>) offsets(%dma_start3A_100 : memref<128xi32, #tpu.memory_space<vmem>>) semaphore(%arg9 : memref<!tpu.dma_semaphore, #tpu.memory_space<semaphore_mem>>) {add = true}
      %mul3A_103 = arith.constant 16 : i32
      %mul3A_104 = arith.muli %add3A_31, %mul3A_103 : i32
      %add3A_105 = arith.constant 8 : i32
      %add3A_106 = arith.addi %mul3A_104, %add3A_105 : i32
      %dma_start3A_107 = arith.constant 0 : i32
      %dma_start3A_108 = tpu.memref_slice %arg4[%add3A_106, %dma_start3A_107] : memref<80x128xi32, #tpu.memory_space<vmem>> -> memref<1x128xi32, #tpu.memory_space<vmem>>
      %dma_start3A_109 = tpu.memref_squeeze %dma_start3A_108 : memref<1x128xi32, #tpu.memory_space<vmem>> -> memref<128xi32, #tpu.memory_space<vmem>>
      %dma_start3A_110 = arith.constant 0 : i32
      %dma_start3A_111 = tpu.memref_slice %arg8[%dma_start3A_110] : memref<10240xf32, #tpu.memory_space<vmem_shared>> -> memref<10240xf32, #tpu.memory_space<vmem_shared>>
      tpu.enqueue_indirect_dma source(%arg5 : memref<128xf32, #tpu.memory_space<vmem>>) target(%dma_start3A_111 : memref<10240xf32, #tpu.memory_space<vmem_shared>>) offsets(%dma_start3A_109 : memref<128xi32, #tpu.memory_space<vmem>>) semaphore(%arg9 : memref<!tpu.dma_semaphore, #tpu.memory_space<semaphore_mem>>) {add = true}
      %mul3A_112 = arith.constant 16 : i32
      %mul3A_113 = arith.muli %add3A_31, %mul3A_112 : i32
      %add3A_114 = arith.constant 9 : i32
      %add3A_115 = arith.addi %mul3A_113, %add3A_114 : i32
      %dma_start3A_116 = arith.constant 0 : i32
      %dma_start3A_117 = tpu.memref_slice %arg4[%add3A_115, %dma_start3A_116] : memref<80x128xi32, #tpu.memory_space<vmem>> -> memref<1x128xi32, #tpu.memory_space<vmem>>
      %dma_start3A_118 = tpu.memref_squeeze %dma_start3A_117 : memref<1x128xi32, #tpu.memory_space<vmem>> -> memref<128xi32, #tpu.memory_space<vmem>>
      %dma_start3A_119 = arith.constant 0 : i32
      %dma_start3A_120 = tpu.memref_slice %arg8[%dma_start3A_119] : memref<10240xf32, #tpu.memory_space<vmem_shared>> -> memref<10240xf32, #tpu.memory_space<vmem_shared>>
      tpu.enqueue_indirect_dma source(%arg5 : memref<128xf32, #tpu.memory_space<vmem>>) target(%dma_start3A_120 : memref<10240xf32, #tpu.memory_space<vmem_shared>>) offsets(%dma_start3A_118 : memref<128xi32, #tpu.memory_space<vmem>>) semaphore(%arg9 : memref<!tpu.dma_semaphore, #tpu.memory_space<semaphore_mem>>) {add = true}
      %mul3A_121 = arith.constant 16 : i32
      %mul3A_122 = arith.muli %add3A_31, %mul3A_121 : i32
      %add3A_123 = arith.constant 10 : i32
      %add3A_124 = arith.addi %mul3A_122, %add3A_123 : i32
      %dma_start3A_125 = arith.constant 0 : i32
      %dma_start3A_126 = tpu.memref_slice %arg4[%add3A_124, %dma_start3A_125] : memref<80x128xi32, #tpu.memory_space<vmem>> -> memref<1x128xi32, #tpu.memory_space<vmem>>
      %dma_start3A_127 = tpu.memref_squeeze %dma_start3A_126 : memref<1x128xi32, #tpu.memory_space<vmem>> -> memref<128xi32, #tpu.memory_space<vmem>>
      %dma_start3A_128 = arith.constant 0 : i32
      %dma_start3A_129 = tpu.memref_slice %arg8[%dma_start3A_128] : memref<10240xf32, #tpu.memory_space<vmem_shared>> -> memref<10240xf32, #tpu.memory_space<vmem_shared>>
      tpu.enqueue_indirect_dma source(%arg5 : memref<128xf32, #tpu.memory_space<vmem>>) target(%dma_start3A_129 : memref<10240xf32, #tpu.memory_space<vmem_shared>>) offsets(%dma_start3A_127 : memref<128xi32, #tpu.memory_space<vmem>>) semaphore(%arg9 : memref<!tpu.dma_semaphore, #tpu.memory_space<semaphore_mem>>) {add = true}
      %mul3A_130 = arith.constant 16 : i32
      %mul3A_131 = arith.muli %add3A_31, %mul3A_130 : i32
      %add3A_132 = arith.constant 11 : i32
      %add3A_133 = arith.addi %mul3A_131, %add3A_132 : i32
      %dma_start3A_134 = arith.constant 0 : i32
      %dma_start3A_135 = tpu.memref_slice %arg4[%add3A_133, %dma_start3A_134] : memref<80x128xi32, #tpu.memory_space<vmem>> -> memref<1x128xi32, #tpu.memory_space<vmem>>
      %dma_start3A_136 = tpu.memref_squeeze %dma_start3A_135 : memref<1x128xi32, #tpu.memory_space<vmem>> -> memref<128xi32, #tpu.memory_space<vmem>>
      %dma_start3A_137 = arith.constant 0 : i32
      %dma_start3A_138 = tpu.memref_slice %arg8[%dma_start3A_137] : memref<10240xf32, #tpu.memory_space<vmem_shared>> -> memref<10240xf32, #tpu.memory_space<vmem_shared>>
      tpu.enqueue_indirect_dma source(%arg5 : memref<128xf32, #tpu.memory_space<vmem>>) target(%dma_start3A_138 : memref<10240xf32, #tpu.memory_space<vmem_shared>>) offsets(%dma_start3A_136 : memref<128xi32, #tpu.memory_space<vmem>>) semaphore(%arg9 : memref<!tpu.dma_semaphore, #tpu.memory_space<semaphore_mem>>) {add = true}
      %mul3A_139 = arith.constant 16 : i32
      %mul3A_140 = arith.muli %add3A_31, %mul3A_139 : i32
      %add3A_141 = arith.constant 12 : i32
      %add3A_142 = arith.addi %mul3A_140, %add3A_141 : i32
      %dma_start3A_143 = arith.constant 0 : i32
      %dma_start3A_144 = tpu.memref_slice %arg4[%add3A_142, %dma_start3A_143] : memref<80x128xi32, #tpu.memory_space<vmem>> -> memref<1x128xi32, #tpu.memory_space<vmem>>
      %dma_start3A_145 = tpu.memref_squeeze %dma_start3A_144 : memref<1x128xi32, #tpu.memory_space<vmem>> -> memref<128xi32, #tpu.memory_space<vmem>>
      %dma_start3A_146 = arith.constant 0 : i32
      %dma_start3A_147 = tpu.memref_slice %arg8[%dma_start3A_146] : memref<10240xf32, #tpu.memory_space<vmem_shared>> -> memref<10240xf32, #tpu.memory_space<vmem_shared>>
      tpu.enqueue_indirect_dma source(%arg5 : memref<128xf32, #tpu.memory_space<vmem>>) target(%dma_start3A_147 : memref<10240xf32, #tpu.memory_space<vmem_shared>>) offsets(%dma_start3A_145 : memref<128xi32, #tpu.memory_space<vmem>>) semaphore(%arg9 : memref<!tpu.dma_semaphore, #tpu.memory_space<semaphore_mem>>) {add = true}
      %mul3A_148 = arith.constant 16 : i32
      %mul3A_149 = arith.muli %add3A_31, %mul3A_148 : i32
      %add3A_150 = arith.constant 13 : i32
      %add3A_151 = arith.addi %mul3A_149, %add3A_150 : i32
      %dma_start3A_152 = arith.constant 0 : i32
      %dma_start3A_153 = tpu.memref_slice %arg4[%add3A_151, %dma_start3A_152] : memref<80x128xi32, #tpu.memory_space<vmem>> -> memref<1x128xi32, #tpu.memory_space<vmem>>
      %dma_start3A_154 = tpu.memref_squeeze %dma_start3A_153 : memref<1x128xi32, #tpu.memory_space<vmem>> -> memref<128xi32, #tpu.memory_space<vmem>>
      %dma_start3A_155 = arith.constant 0 : i32
      %dma_start3A_156 = tpu.memref_slice %arg8[%dma_start3A_155] : memref<10240xf32, #tpu.memory_space<vmem_shared>> -> memref<10240xf32, #tpu.memory_space<vmem_shared>>
      tpu.enqueue_indirect_dma source(%arg5 : memref<128xf32, #tpu.memory_space<vmem>>) target(%dma_start3A_156 : memref<10240xf32, #tpu.memory_space<vmem_shared>>) offsets(%dma_start3A_154 : memref<128xi32, #tpu.memory_space<vmem>>) semaphore(%arg9 : memref<!tpu.dma_semaphore, #tpu.memory_space<semaphore_mem>>) {add = true}
      %mul3A_157 = arith.constant 16 : i32
      %mul3A_158 = arith.muli %add3A_31, %mul3A_157 : i32
      %add3A_159 = arith.constant 14 : i32
      %add3A_160 = arith.addi %mul3A_158, %add3A_159 : i32
      %dma_start3A_161 = arith.constant 0 : i32
      %dma_start3A_162 = tpu.memref_slice %arg4[%add3A_160, %dma_start3A_161] : memref<80x128xi32, #tpu.memory_space<vmem>> -> memref<1x128xi32, #tpu.memory_space<vmem>>
      %dma_start3A_163 = tpu.memref_squeeze %dma_start3A_162 : memref<1x128xi32, #tpu.memory_space<vmem>> -> memref<128xi32, #tpu.memory_space<vmem>>
      %dma_start3A_164 = arith.constant 0 : i32
      %dma_start3A_165 = tpu.memref_slice %arg8[%dma_start3A_164] : memref<10240xf32, #tpu.memory_space<vmem_shared>> -> memref<10240xf32, #tpu.memory_space<vmem_shared>>
      tpu.enqueue_indirect_dma source(%arg5 : memref<128xf32, #tpu.memory_space<vmem>>) target(%dma_start3A_165 : memref<10240xf32, #tpu.memory_space<vmem_shared>>) offsets(%dma_start3A_163 : memref<128xi32, #tpu.memory_space<vmem>>) semaphore(%arg9 : memref<!tpu.dma_semaphore, #tpu.memory_space<semaphore_mem>>) {add = true}
      %mul3A_166 = arith.constant 16 : i32
      %mul3A_167 = arith.muli %add3A_31, %mul3A_166 : i32
      %add3A_168 = arith.constant 15 : i32
      %add3A_169 = arith.addi %mul3A_167, %add3A_168 : i32
      %dma_start3A_170 = arith.constant 0 : i32
      %dma_start3A_171 = tpu.memref_slice %arg4[%add3A_169, %dma_start3A_170] : memref<80x128xi32, #tpu.memory_space<vmem>> -> memref<1x128xi32, #tpu.memory_space<vmem>>
      %dma_start3A_172 = tpu.memref_squeeze %dma_start3A_171 : memref<1x128xi32, #tpu.memory_space<vmem>> -> memref<128xi32, #tpu.memory_space<vmem>>
      %dma_start3A_173 = arith.constant 0 : i32
      %dma_start3A_174 = tpu.memref_slice %arg8[%dma_start3A_173] : memref<10240xf32, #tpu.memory_space<vmem_shared>> -> memref<10240xf32, #tpu.memory_space<vmem_shared>>
      tpu.enqueue_indirect_dma source(%arg5 : memref<128xf32, #tpu.memory_space<vmem>>) target(%dma_start3A_174 : memref<10240xf32, #tpu.memory_space<vmem_shared>>) offsets(%dma_start3A_172 : memref<128xi32, #tpu.memory_space<vmem>>) semaphore(%arg9 : memref<!tpu.dma_semaphore, #tpu.memory_space<semaphore_mem>>) {add = true}
      %dma_wait3A = arith.constant 0 : i32
      %dma_wait3A_175 = arith.constant 0 : i32
      %dma_wait3A_176 = tpu.memref_slice %arg4[%dma_wait3A, %dma_wait3A_175] : memref<80x128xi32, #tpu.memory_space<vmem>> -> memref<1x128xi32, #tpu.memory_space<vmem>>
      %dma_wait3A_177 = tpu.memref_squeeze %dma_wait3A_176 : memref<1x128xi32, #tpu.memory_space<vmem>> -> memref<128xi32, #tpu.memory_space<vmem>>
      %dma_wait3A_178 = arith.constant 0 : i32
      %dma_wait3A_179 = tpu.memref_slice %arg8[%dma_wait3A_178] : memref<10240xf32, #tpu.memory_space<vmem_shared>> -> memref<10240xf32, #tpu.memory_space<vmem_shared>>
      tpu.wait_indirect_dma semaphore(%arg9 : memref<!tpu.dma_semaphore, #tpu.memory_space<semaphore_mem>>) src(%arg5 : memref<128xf32, #tpu.memory_space<vmem>>) dst(%dma_wait3A_179 : memref<10240xf32, #tpu.memory_space<vmem_shared>>)
      %dma_wait3A_180 = arith.constant 0 : i32
      %dma_wait3A_181 = arith.constant 0 : i32
      %dma_wait3A_182 = tpu.memref_slice %arg4[%dma_wait3A_180, %dma_wait3A_181] : memref<80x128xi32, #tpu.memory_space<vmem>> -> memref<1x128xi32, #tpu.memory_space<vmem>>
      %dma_wait3A_183 = tpu.memref_squeeze %dma_wait3A_182 : memref<1x128xi32, #tpu.memory_space<vmem>> -> memref<128xi32, #tpu.memory_space<vmem>>
      %dma_wait3A_184 = arith.constant 0 : i32
      %dma_wait3A_185 = tpu.memref_slice %arg8[%dma_wait3A_184] : memref<10240xf32, #tpu.memory_space<vmem_shared>> -> memref<10240xf32, #tpu.memory_space<vmem_shared>>
      tpu.wait_indirect_dma semaphore(%arg9 : memref<!tpu.dma_semaphore, #tpu.memory_space<semaphore_mem>>) src(%arg5 : memref<128xf32, #tpu.memory_space<vmem>>) dst(%dma_wait3A_185 : memref<10240xf32, #tpu.memory_space<vmem_shared>>)
      %dma_wait3A_186 = arith.constant 0 : i32
      %dma_wait3A_187 = arith.constant 0 : i32
      %dma_wait3A_188 = tpu.memref_slice %arg4[%dma_wait3A_186, %dma_wait3A_187] : memref<80x128xi32, #tpu.memory_space<vmem>> -> memref<1x128xi32, #tpu.memory_space<vmem>>
      %dma_wait3A_189 = tpu.memref_squeeze %dma_wait3A_188 : memref<1x128xi32, #tpu.memory_space<vmem>> -> memref<128xi32, #tpu.memory_space<vmem>>
      %dma_wait3A_190 = arith.constant 0 : i32
      %dma_wait3A_191 = tpu.memref_slice %arg8[%dma_wait3A_190] : memref<10240xf32, #tpu.memory_space<vmem_shared>> -> memref<10240xf32, #tpu.memory_space<vmem_shared>>
      tpu.wait_indirect_dma semaphore(%arg9 : memref<!tpu.dma_semaphore, #tpu.memory_space<semaphore_mem>>) src(%arg5 : memref<128xf32, #tpu.memory_space<vmem>>) dst(%dma_wait3A_191 : memref<10240xf32, #tpu.memory_space<vmem_shared>>)
      %dma_wait3A_192 = arith.constant 0 : i32
      %dma_wait3A_193 = arith.constant 0 : i32
      %dma_wait3A_194 = tpu.memref_slice %arg4[%dma_wait3A_192, %dma_wait3A_193] : memref<80x128xi32, #tpu.memory_space<vmem>> -> memref<1x128xi32, #tpu.memory_space<vmem>>
      %dma_wait3A_195 = tpu.memref_squeeze %dma_wait3A_194 : memref<1x128xi32, #tpu.memory_space<vmem>> -> memref<128xi32, #tpu.memory_space<vmem>>
      %dma_wait3A_196 = arith.constant 0 : i32
      %dma_wait3A_197 = tpu.memref_slice %arg8[%dma_wait3A_196] : memref<10240xf32, #tpu.memory_space<vmem_shared>> -> memref<10240xf32, #tpu.memory_space<vmem_shared>>
      tpu.wait_indirect_dma semaphore(%arg9 : memref<!tpu.dma_semaphore, #tpu.memory_space<semaphore_mem>>) src(%arg5 : memref<128xf32, #tpu.memory_space<vmem>>) dst(%dma_wait3A_197 : memref<10240xf32, #tpu.memory_space<vmem_shared>>)
      %dma_wait3A_198 = arith.constant 0 : i32
      %dma_wait3A_199 = arith.constant 0 : i32
      %dma_wait3A_200 = tpu.memref_slice %arg4[%dma_wait3A_198, %dma_wait3A_199] : memref<80x128xi32, #tpu.memory_space<vmem>> -> memref<1x128xi32, #tpu.memory_space<vmem>>
      %dma_wait3A_201 = tpu.memref_squeeze %dma_wait3A_200 : memref<1x128xi32, #tpu.memory_space<vmem>> -> memref<128xi32, #tpu.memory_space<vmem>>
      %dma_wait3A_202 = arith.constant 0 : i32
      %dma_wait3A_203 = tpu.memref_slice %arg8[%dma_wait3A_202] : memref<10240xf32, #tpu.memory_space<vmem_shared>> -> memref<10240xf32, #tpu.memory_space<vmem_shared>>
      tpu.wait_indirect_dma semaphore(%arg9 : memref<!tpu.dma_semaphore, #tpu.memory_space<semaphore_mem>>) src(%arg5 : memref<128xf32, #tpu.memory_space<vmem>>) dst(%dma_wait3A_203 : memref<10240xf32, #tpu.memory_space<vmem_shared>>)
      %dma_wait3A_204 = arith.constant 0 : i32
      %dma_wait3A_205 = arith.constant 0 : i32
      %dma_wait3A_206 = tpu.memref_slice %arg4[%dma_wait3A_204, %dma_wait3A_205] : memref<80x128xi32, #tpu.memory_space<vmem>> -> memref<1x128xi32, #tpu.memory_space<vmem>>
      %dma_wait3A_207 = tpu.memref_squeeze %dma_wait3A_206 : memref<1x128xi32, #tpu.memory_space<vmem>> -> memref<128xi32, #tpu.memory_space<vmem>>
      %dma_wait3A_208 = arith.constant 0 : i32
      %dma_wait3A_209 = tpu.memref_slice %arg8[%dma_wait3A_208] : memref<10240xf32, #tpu.memory_space<vmem_shared>> -> memref<10240xf32, #tpu.memory_space<vmem_shared>>
      tpu.wait_indirect_dma semaphore(%arg9 : memref<!tpu.dma_semaphore, #tpu.memory_space<semaphore_mem>>) src(%arg5 : memref<128xf32, #tpu.memory_space<vmem>>) dst(%dma_wait3A_209 : memref<10240xf32, #tpu.memory_space<vmem_shared>>)
      %dma_wait3A_210 = arith.constant 0 : i32
      %dma_wait3A_211 = arith.constant 0 : i32
      %dma_wait3A_212 = tpu.memref_slice %arg4[%dma_wait3A_210, %dma_wait3A_211] : memref<80x128xi32, #tpu.memory_space<vmem>> -> memref<1x128xi32, #tpu.memory_space<vmem>>
      %dma_wait3A_213 = tpu.memref_squeeze %dma_wait3A_212 : memref<1x128xi32, #tpu.memory_space<vmem>> -> memref<128xi32, #tpu.memory_space<vmem>>
      %dma_wait3A_214 = arith.constant 0 : i32
      %dma_wait3A_215 = tpu.memref_slice %arg8[%dma_wait3A_214] : memref<10240xf32, #tpu.memory_space<vmem_shared>> -> memref<10240xf32, #tpu.memory_space<vmem_shared>>
      tpu.wait_indirect_dma semaphore(%arg9 : memref<!tpu.dma_semaphore, #tpu.memory_space<semaphore_mem>>) src(%arg5 : memref<128xf32, #tpu.memory_space<vmem>>) dst(%dma_wait3A_215 : memref<10240xf32, #tpu.memory_space<vmem_shared>>)
      %dma_wait3A_216 = arith.constant 0 : i32
      %dma_wait3A_217 = arith.constant 0 : i32
      %dma_wait3A_218 = tpu.memref_slice %arg4[%dma_wait3A_216, %dma_wait3A_217] : memref<80x128xi32, #tpu.memory_space<vmem>> -> memref<1x128xi32, #tpu.memory_space<vmem>>
      %dma_wait3A_219 = tpu.memref_squeeze %dma_wait3A_218 : memref<1x128xi32, #tpu.memory_space<vmem>> -> memref<128xi32, #tpu.memory_space<vmem>>
      %dma_wait3A_220 = arith.constant 0 : i32
      %dma_wait3A_221 = tpu.memref_slice %arg8[%dma_wait3A_220] : memref<10240xf32, #tpu.memory_space<vmem_shared>> -> memref<10240xf32, #tpu.memory_space<vmem_shared>>
      tpu.wait_indirect_dma semaphore(%arg9 : memref<!tpu.dma_semaphore, #tpu.memory_space<semaphore_mem>>) src(%arg5 : memref<128xf32, #tpu.memory_space<vmem>>) dst(%dma_wait3A_221 : memref<10240xf32, #tpu.memory_space<vmem_shared>>)
      %dma_wait3A_222 = arith.constant 0 : i32
      %dma_wait3A_223 = arith.constant 0 : i32
      %dma_wait3A_224 = tpu.memref_slice %arg4[%dma_wait3A_222, %dma_wait3A_223] : memref<80x128xi32, #tpu.memory_space<vmem>> -> memref<1x128xi32, #tpu.memory_space<vmem>>
      %dma_wait3A_225 = tpu.memref_squeeze %dma_wait3A_224 : memref<1x128xi32, #tpu.memory_space<vmem>> -> memref<128xi32, #tpu.memory_space<vmem>>
      %dma_wait3A_226 = arith.constant 0 : i32
      %dma_wait3A_227 = tpu.memref_slice %arg8[%dma_wait3A_226] : memref<10240xf32, #tpu.memory_space<vmem_shared>> -> memref<10240xf32, #tpu.memory_space<vmem_shared>>
      tpu.wait_indirect_dma semaphore(%arg9 : memref<!tpu.dma_semaphore, #tpu.memory_space<semaphore_mem>>) src(%arg5 : memref<128xf32, #tpu.memory_space<vmem>>) dst(%dma_wait3A_227 : memref<10240xf32, #tpu.memory_space<vmem_shared>>)
      %dma_wait3A_228 = arith.constant 0 : i32
      %dma_wait3A_229 = arith.constant 0 : i32
      %dma_wait3A_230 = tpu.memref_slice %arg4[%dma_wait3A_228, %dma_wait3A_229] : memref<80x128xi32, #tpu.memory_space<vmem>> -> memref<1x128xi32, #tpu.memory_space<vmem>>
      %dma_wait3A_231 = tpu.memref_squeeze %dma_wait3A_230 : memref<1x128xi32, #tpu.memory_space<vmem>> -> memref<128xi32, #tpu.memory_space<vmem>>
      %dma_wait3A_232 = arith.constant 0 : i32
      %dma_wait3A_233 = tpu.memref_slice %arg8[%dma_wait3A_232] : memref<10240xf32, #tpu.memory_space<vmem_shared>> -> memref<10240xf32, #tpu.memory_space<vmem_shared>>
      tpu.wait_indirect_dma semaphore(%arg9 : memref<!tpu.dma_semaphore, #tpu.memory_space<semaphore_mem>>) src(%arg5 : memref<128xf32, #tpu.memory_space<vmem>>) dst(%dma_wait3A_233 : memref<10240xf32, #tpu.memory_space<vmem_shared>>)
      %dma_wait3A_234 = arith.constant 0 : i32
      %dma_wait3A_235 = arith.constant 0 : i32
      %dma_wait3A_236 = tpu.memref_slice %arg4[%dma_wait3A_234, %dma_wait3A_235] : memref<80x128xi32, #tpu.memory_space<vmem>> -> memref<1x128xi32, #tpu.memory_space<vmem>>
      %dma_wait3A_237 = tpu.memref_squeeze %dma_wait3A_236 : memref<1x128xi32, #tpu.memory_space<vmem>> -> memref<128xi32, #tpu.memory_space<vmem>>
      %dma_wait3A_238 = arith.constant 0 : i32
      %dma_wait3A_239 = tpu.memref_slice %arg8[%dma_wait3A_238] : memref<10240xf32, #tpu.memory_space<vmem_shared>> -> memref<10240xf32, #tpu.memory_space<vmem_shared>>
      tpu.wait_indirect_dma semaphore(%arg9 : memref<!tpu.dma_semaphore, #tpu.memory_space<semaphore_mem>>) src(%arg5 : memref<128xf32, #tpu.memory_space<vmem>>) dst(%dma_wait3A_239 : memref<10240xf32, #tpu.memory_space<vmem_shared>>)
      %dma_wait3A_240 = arith.constant 0 : i32
      %dma_wait3A_241 = arith.constant 0 : i32
      %dma_wait3A_242 = tpu.memref_slice %arg4[%dma_wait3A_240, %dma_wait3A_241] : memref<80x128xi32, #tpu.memory_space<vmem>> -> memref<1x128xi32, #tpu.memory_space<vmem>>
      %dma_wait3A_243 = tpu.memref_squeeze %dma_wait3A_242 : memref<1x128xi32, #tpu.memory_space<vmem>> -> memref<128xi32, #tpu.memory_space<vmem>>
      %dma_wait3A_244 = arith.constant 0 : i32
      %dma_wait3A_245 = tpu.memref_slice %arg8[%dma_wait3A_244] : memref<10240xf32, #tpu.memory_space<vmem_shared>> -> memref<10240xf32, #tpu.memory_space<vmem_shared>>
      tpu.wait_indirect_dma semaphore(%arg9 : memref<!tpu.dma_semaphore, #tpu.memory_space<semaphore_mem>>) src(%arg5 : memref<128xf32, #tpu.memory_space<vmem>>) dst(%dma_wait3A_245 : memref<10240xf32, #tpu.memory_space<vmem_shared>>)
      %dma_wait3A_246 = arith.constant 0 : i32
      %dma_wait3A_247 = arith.constant 0 : i32
      %dma_wait3A_248 = tpu.memref_slice %arg4[%dma_wait3A_246, %dma_wait3A_247] : memref<80x128xi32, #tpu.memory_space<vmem>> -> memref<1x128xi32, #tpu.memory_space<vmem>>
      %dma_wait3A_249 = tpu.memref_squeeze %dma_wait3A_248 : memref<1x128xi32, #tpu.memory_space<vmem>> -> memref<128xi32, #tpu.memory_space<vmem>>
      %dma_wait3A_250 = arith.constant 0 : i32
      %dma_wait3A_251 = tpu.memref_slice %arg8[%dma_wait3A_250] : memref<10240xf32, #tpu.memory_space<vmem_shared>> -> memref<10240xf32, #tpu.memory_space<vmem_shared>>
      tpu.wait_indirect_dma semaphore(%arg9 : memref<!tpu.dma_semaphore, #tpu.memory_space<semaphore_mem>>) src(%arg5 : memref<128xf32, #tpu.memory_space<vmem>>) dst(%dma_wait3A_251 : memref<10240xf32, #tpu.memory_space<vmem_shared>>)
      %dma_wait3A_252 = arith.constant 0 : i32
      %dma_wait3A_253 = arith.constant 0 : i32
      %dma_wait3A_254 = tpu.memref_slice %arg4[%dma_wait3A_252, %dma_wait3A_253] : memref<80x128xi32, #tpu.memory_space<vmem>> -> memref<1x128xi32, #tpu.memory_space<vmem>>
      %dma_wait3A_255 = tpu.memref_squeeze %dma_wait3A_254 : memref<1x128xi32, #tpu.memory_space<vmem>> -> memref<128xi32, #tpu.memory_space<vmem>>
      %dma_wait3A_256 = arith.constant 0 : i32
      %dma_wait3A_257 = tpu.memref_slice %arg8[%dma_wait3A_256] : memref<10240xf32, #tpu.memory_space<vmem_shared>> -> memref<10240xf32, #tpu.memory_space<vmem_shared>>
      tpu.wait_indirect_dma semaphore(%arg9 : memref<!tpu.dma_semaphore, #tpu.memory_space<semaphore_mem>>) src(%arg5 : memref<128xf32, #tpu.memory_space<vmem>>) dst(%dma_wait3A_257 : memref<10240xf32, #tpu.memory_space<vmem_shared>>)
      %dma_wait3A_258 = arith.constant 0 : i32
      %dma_wait3A_259 = arith.constant 0 : i32
      %dma_wait3A_260 = tpu.memref_slice %arg4[%dma_wait3A_258, %dma_wait3A_259] : memref<80x128xi32, #tpu.memory_space<vmem>> -> memref<1x128xi32, #tpu.memory_space<vmem>>
      %dma_wait3A_261 = tpu.memref_squeeze %dma_wait3A_260 : memref<1x128xi32, #tpu.memory_space<vmem>> -> memref<128xi32, #tpu.memory_space<vmem>>
      %dma_wait3A_262 = arith.constant 0 : i32
      %dma_wait3A_263 = tpu.memref_slice %arg8[%dma_wait3A_262] : memref<10240xf32, #tpu.memory_space<vmem_shared>> -> memref<10240xf32, #tpu.memory_space<vmem_shared>>
      tpu.wait_indirect_dma semaphore(%arg9 : memref<!tpu.dma_semaphore, #tpu.memory_space<semaphore_mem>>) src(%arg5 : memref<128xf32, #tpu.memory_space<vmem>>) dst(%dma_wait3A_263 : memref<10240xf32, #tpu.memory_space<vmem_shared>>)
      %dma_wait3A_264 = arith.constant 0 : i32
      %dma_wait3A_265 = arith.constant 0 : i32
      %dma_wait3A_266 = tpu.memref_slice %arg4[%dma_wait3A_264, %dma_wait3A_265] : memref<80x128xi32, #tpu.memory_space<vmem>> -> memref<1x128xi32, #tpu.memory_space<vmem>>
      %dma_wait3A_267 = tpu.memref_squeeze %dma_wait3A_266 : memref<1x128xi32, #tpu.memory_space<vmem>> -> memref<128xi32, #tpu.memory_space<vmem>>
      %dma_wait3A_268 = arith.constant 0 : i32
      %dma_wait3A_269 = tpu.memref_slice %arg8[%dma_wait3A_268] : memref<10240xf32, #tpu.memory_space<vmem_shared>> -> memref<10240xf32, #tpu.memory_space<vmem_shared>>
      tpu.wait_indirect_dma semaphore(%arg9 : memref<!tpu.dma_semaphore, #tpu.memory_space<semaphore_mem>>) src(%arg5 : memref<128xf32, #tpu.memory_space<vmem>>) dst(%dma_wait3A_269 : memref<10240xf32, #tpu.memory_space<vmem_shared>>)
    }
    %scan3A_18 = arith.constant 5 : i32
    %barrier3A_19 = arith.constant 0 : index
    tpu.barrier barrier_id(%barrier3A_19)
    %mul3A_20 = arith.constant 640 : i32
    %mul3A_21 = arith.muli %arg1, %mul3A_20 : i32
    "tpu.region"() ({
      %run_scoped3A_27 = tpu.sem_alloc : memref<!tpu.dma_semaphore, #tpu.memory_space<semaphore_mem>>
      %dma_start3A = arith.constant 0 : i32
      %dma_start3A_28 = tpu.memref_slice %arg6[%dma_start3A] : memref<656xf32, #tpu.memory_space<vmem>> -> memref<640xf32, #tpu.memory_space<vmem>>
      %dma_start3A_29 = tpu.memref_slice %arg8[%mul3A_21] : memref<10240xf32, #tpu.memory_space<vmem_shared>> -> memref<640xf32, #tpu.memory_space<vmem_shared>>
      %dma_start3A_30 = arith.constant 0 : i32
      %dma_start3A_31 = tpu.memref_slice %arg6[%dma_start3A_30] : memref<656xf32, #tpu.memory_space<vmem>> -> memref<640xf32, #tpu.memory_space<vmem>>
      %dma_start3A_32 = tpu.memref_slice %arg8[%mul3A_21] : memref<10240xf32, #tpu.memory_space<vmem_shared>> -> memref<640xf32, #tpu.memory_space<vmem_shared>>
      tpu.enqueue_dma source(%dma_start3A_32 : memref<640xf32, #tpu.memory_space<vmem_shared>>) target(%dma_start3A_31 : memref<640xf32, #tpu.memory_space<vmem>>) target_semaphore(%run_scoped3A_27 : memref<!tpu.dma_semaphore, #tpu.memory_space<semaphore_mem>>)
      %dma_wait3A = arith.constant 0 : i32
      %dma_wait3A_33 = tpu.memref_slice %arg6[%dma_wait3A] : memref<656xf32, #tpu.memory_space<vmem>> -> memref<640xf32, #tpu.memory_space<vmem>>
      %dma_wait3A_34 = tpu.memref_slice %arg8[%mul3A_21] : memref<10240xf32, #tpu.memory_space<vmem_shared>> -> memref<640xf32, #tpu.memory_space<vmem_shared>>
      %dma_wait3A_35 = arith.constant 0 : i32
      %dma_wait3A_36 = tpu.memref_slice %arg6[%dma_wait3A_35] : memref<656xf32, #tpu.memory_space<vmem>> -> memref<640xf32, #tpu.memory_space<vmem>>
      %dma_wait3A_37 = tpu.memref_slice %arg8[%mul3A_21] : memref<10240xf32, #tpu.memory_space<vmem_shared>> -> memref<640xf32, #tpu.memory_space<vmem_shared>>
      tpu.wait_dma2 semaphore(%run_scoped3A_27 : memref<!tpu.dma_semaphore, #tpu.memory_space<semaphore_mem>>) src(%dma_wait3A_37 : memref<640xf32, #tpu.memory_space<vmem_shared>>) dst(%dma_wait3A_36 : memref<640xf32, #tpu.memory_space<vmem>>)
      tpu.yield
    }) : () -> ()
    %scan3A_22 = arith.constant 0 : i32
    %scan3A_23 = arith.constant 640 : i32
    %scan3A_24 = arith.addi %scan3A_22, %scan3A_23 : i32
    %scan3A_25 = arith.constant 1 : i32
    scf.for %scan3A_27 = %scan3A_22 to %scan3A_24 step %scan3A_25  : i32 {
      %mul3A_28 = arith.constant 1 : i32
      %mul3A_29 = arith.muli %scan3A_27, %mul3A_28 : i32
      %add3A_30 = arith.constant 0 : i32
      %add3A_31 = arith.addi %add3A_30, %mul3A_29 : i32
      %get3A = arith.index_cast %add3A_31 : i32 to index
      %get3A_32 = tpu.vector_load %arg6[%get3A] {strides = array<i32>} : memref<656xf32, #tpu.memory_space<vmem>>, vector<16xf32>,
      %get3A_33 = vector.shape_cast %get3A_32 : vector<16xf32> to vector<16xf32>
      %swap3A = arith.index_cast %add3A_31 : i32 to index
      %swap3A_34 = arith.constant 0 : index
      %swap3A_35 = tpu.vector_load %arg7[%swap3A, %swap3A_34] {strides = array<i32>} : memref<640x16xf32, #tpu.memory_space<vmem>>, vector<1x16xf32>,
      %swap3A_36 = vector.shape_cast %swap3A_35 : vector<1x16xf32> to vector<16xf32>
      %swap3A_37 = vector.shape_cast %get3A_33 : vector<16xf32> to vector<1x16xf32>
      tpu.vector_store %arg7[%swap3A, %swap3A_34], %swap3A_37 {strides = array<i32>} : memref<640x16xf32, #tpu.memory_space<vmem>>, vector<1x16xf32>,
    }
    %scan3A_26 = arith.constant 640 : i32
    "tpu.region"() ({
      %run_scoped3A_27 = tpu.sem_alloc : memref<!tpu.dma_semaphore, #tpu.memory_space<semaphore_mem>>
      %dma_start3A = arith.constant 0 : i32
      %dma_start3A_28 = tpu.memref_slice %arg3[%arg0, %mul3A_21, %dma_start3A] : memref<2x10240x16xf32, #tpu.memory_space<hbm>> -> memref<1x640x16xf32, #tpu.memory_space<hbm>>
      %dma_start3A_29 = tpu.memref_squeeze %dma_start3A_28 : memref<1x640x16xf32, #tpu.memory_space<hbm>> -> memref<640x16xf32, #tpu.memory_space<hbm>>
      %dma_start3A_30 = arith.constant 0 : i32
      %dma_start3A_31 = tpu.memref_slice %arg3[%arg0, %mul3A_21, %dma_start3A_30] : memref<2x10240x16xf32, #tpu.memory_space<hbm>> -> memref<1x640x16xf32, #tpu.memory_space<hbm>>
      %dma_start3A_32 = tpu.memref_squeeze %dma_start3A_31 : memref<1x640x16xf32, #tpu.memory_space<hbm>> -> memref<640x16xf32, #tpu.memory_space<hbm>>
      tpu.enqueue_dma source(%arg7 : memref<640x16xf32, #tpu.memory_space<vmem>>) target(%dma_start3A_32 : memref<640x16xf32, #tpu.memory_space<hbm>>) target_semaphore(%run_scoped3A_27 : memref<!tpu.dma_semaphore, #tpu.memory_space<semaphore_mem>>)
      %dma_wait3A = arith.constant 0 : i32
      %dma_wait3A_33 = tpu.memref_slice %arg3[%arg0, %mul3A_21, %dma_wait3A] : memref<2x10240x16xf32, #tpu.memory_space<hbm>> -> memref<1x640x16xf32, #tpu.memory_space<hbm>>
      %dma_wait3A_34 = tpu.memref_squeeze %dma_wait3A_33 : memref<1x640x16xf32, #tpu.memory_space<hbm>> -> memref<640x16xf32, #tpu.memory_space<hbm>>
      %dma_wait3A_35 = arith.constant 0 : i32
      %dma_wait3A_36 = tpu.memref_slice %arg3[%arg0, %mul3A_21, %dma_wait3A_35] : memref<2x10240x16xf32, #tpu.memory_space<hbm>> -> memref<1x640x16xf32, #tpu.memory_space<hbm>>
      %dma_wait3A_37 = tpu.memref_squeeze %dma_wait3A_36 : memref<1x640x16xf32, #tpu.memory_space<hbm>> -> memref<640x16xf32, #tpu.memory_space<hbm>>
      tpu.wait_dma2 semaphore(%run_scoped3A_27 : memref<!tpu.dma_semaphore, #tpu.memory_space<semaphore_mem>>) src(%arg7 : memref<640x16xf32, #tpu.memory_space<vmem>>) dst(%dma_wait3A_37 : memref<640x16xf32, #tpu.memory_space<hbm>>)
      tpu.yield
    }) : () -> ()
    return
  }
}

module attributes {stable_mosaic.version = 14 : i64} {
  func.func @_scale_body(%arg0: i32, %arg1: memref<5000x128xf32, #tpu.memory_space<vmem>>, %arg2: memref<1x5000x16xf32, #tpu.memory_space<vmem>>, %arg3: memref<1x5000x16xf32, #tpu.memory_space<vmem>>, %arg4: memref<5000x128xf32, #tpu.memory_space<vmem>>, %arg5: memref<5000x1xf32, #tpu.memory_space<vmem>>) attributes {dimension_semantics = [#tpu.dimension_semantics<arbitrary>], iteration_bounds = array<i64: 2>, scalar_prefetch = 0 : i64, scratch_operands = 0 : i64, tpu.core_type = #tpu.core_type<tc>, window_params = [{transform_indices = @transform_0, window_bounds = array<i64: 5000, 128>}, {transform_indices = @transform_1, window_bounds = array<i64: 1, 5000, 16>}, {transform_indices = @transform_2, window_bounds = array<i64: 1, 5000, 16>}, {transform_indices = @transform_3, window_bounds = array<i64: 5000, 128>}, {transform_indices = @transform_4, window_bounds = array<i64: 5000, 1>}]} {
    %get3A = arith.constant 0 : index
    %get3A_0 = arith.constant 0 : index
    %get3A_1 = arith.constant 0 : index
    %get3A_2 = vector.load %arg2[%get3A, %get3A_0, %get3A_1] : memref<1x5000x16xf32, #tpu.memory_space<vmem>>, vector<1x5000x16xf32>
    %get3A_3 = vector.shape_cast %get3A_2 : vector<1x5000x16xf32> to vector<5000x16xf32>
    %slice3A = vector.extract_strided_slice %get3A_3 {offsets = [0, 0], sizes = [5000, 1], strides = [1, 1]} : vector<5000x16xf32> to vector<5000x1xf32>
    %get3A_4 = arith.constant 0 : index
    %get3A_5 = arith.constant 0 : index
    %get3A_6 = arith.constant 0 : index
    %get3A_7 = vector.load %arg3[%get3A_4, %get3A_5, %get3A_6] : memref<1x5000x16xf32, #tpu.memory_space<vmem>>, vector<1x5000x16xf32>
    %get3A_8 = vector.shape_cast %get3A_7 : vector<1x5000x16xf32> to vector<5000x16xf32>
    %slice3A_9 = vector.extract_strided_slice %get3A_8 {offsets = [0, 0], sizes = [5000, 1], strides = [1, 1]} : vector<5000x16xf32> to vector<5000x1xf32>
    %add3A = arith.addf %slice3A, %slice3A_9 : vector<5000x1xf32>
    %add3A_10 = arith.constant 1.000000e+00 : f32
    %add3A_11 = vector.broadcast %add3A_10 : f32 to vector<5000x1xf32>
    %add3A_12 = arith.addf %add3A, %add3A_11 : vector<5000x1xf32>
    %rsqrt3A = math.rsqrt %add3A_12 : vector<5000x1xf32>
    %swap3A = arith.constant 0 : index
    %swap3A_13 = arith.constant 0 : index
    %swap3A_14 = vector.load %arg5[%swap3A, %swap3A_13] : memref<5000x1xf32, #tpu.memory_space<vmem>>, vector<5000x1xf32>
    tpu.vector_store %arg5[%swap3A, %swap3A_13], %rsqrt3A {strides = array<i32>} : memref<5000x1xf32, #tpu.memory_space<vmem>>, vector<5000x1xf32>,
    %get3A_15 = arith.constant 0 : index
    %get3A_16 = arith.constant 0 : index
    %get3A_17 = vector.load %arg1[%get3A_15, %get3A_16] : memref<5000x128xf32, #tpu.memory_space<vmem>>, vector<5000x128xf32>
    %mul3A = vector.broadcast %rsqrt3A : vector<5000x1xf32> to vector<5000x128xf32>
    %mul3A_18 = arith.mulf %mul3A, %get3A_17 : vector<5000x128xf32>
    %swap3A_19 = arith.constant 0 : index
    %swap3A_20 = arith.constant 0 : index
    %swap3A_21 = vector.load %arg4[%swap3A_19, %swap3A_20] : memref<5000x128xf32, #tpu.memory_space<vmem>>, vector<5000x128xf32>
    tpu.vector_store %arg4[%swap3A_19, %swap3A_20], %mul3A_18 {strides = array<i32>} : memref<5000x128xf32, #tpu.memory_space<vmem>>, vector<5000x128xf32>,
    return
  }
  func.func @transform_0(%arg0: i32) -> (i32, i32) {
    %c0_i32 = arith.constant 0 : i32
    %c0_i32_0 = arith.constant 0 : i32
    return %arg0, %c0_i32 : i32, i32
  }
  func.func @transform_1(%arg0: i32) -> (i32, i32, i32) {
    %c0_i32 = arith.constant 0 : i32
    %c0_i32_0 = arith.constant 0 : i32
    %c0_i32_1 = arith.constant 0 : i32
    return %c0_i32, %arg0, %c0_i32_0 : i32, i32, i32
  }
  func.func @transform_2(%arg0: i32) -> (i32, i32, i32) {
    %c1_i32 = arith.constant 1 : i32
    %c0_i32 = arith.constant 0 : i32
    %c0_i32_0 = arith.constant 0 : i32
    return %c1_i32, %arg0, %c0_i32 : i32, i32, i32
  }
  func.func @transform_3(%arg0: i32) -> (i32, i32) {
    %c0_i32 = arith.constant 0 : i32
    %c0_i32_0 = arith.constant 0 : i32
    return %arg0, %c0_i32 : i32, i32
  }
  func.func @transform_4(%arg0: i32) -> (i32, i32) {
    %c0_i32 = arith.constant 0 : i32
    %c0_i32_0 = arith.constant 0 : i32
    return %arg0, %c0_i32 : i32, i32
  }
}

module attributes {stable_mosaic.version = 14 : i64} {
  func.func @_matmul_body(%arg0: i32, %arg1: memref<5000x128xf32, #tpu.memory_space<vmem>>, %arg2: memref<128x128xf32, #tpu.memory_space<vmem>>, %arg3: memref<1x128xf32, #tpu.memory_space<vmem>>, %arg4: memref<128x128xf32, #tpu.memory_space<vmem>>, %arg5: memref<5000x128xf32, #tpu.memory_space<vmem>>) attributes {dimension_semantics = [#tpu.dimension_semantics<arbitrary>], iteration_bounds = array<i64: 2>, scalar_prefetch = 0 : i64, scratch_operands = 0 : i64, tpu.core_type = #tpu.core_type<tc>, window_params = [{transform_indices = @transform_0, window_bounds = array<i64: 5000, 128>}, {pipeline_mode = #tpu.pipeline_mode<synchronous>, transform_indices = @transform_1, window_bounds = array<i64: 128, 128>}, {pipeline_mode = #tpu.pipeline_mode<synchronous>, transform_indices = @transform_2, window_bounds = array<i64: 1, 128>}, {pipeline_mode = #tpu.pipeline_mode<synchronous>, transform_indices = @transform_3, window_bounds = array<i64: 128, 128>}, {transform_indices = @transform_4, window_bounds = array<i64: 5000, 128>}]} {
    %get3A = arith.constant 0 : index
    %get3A_0 = arith.constant 0 : index
    %get3A_1 = vector.load %arg1[%get3A, %get3A_0] : memref<5000x128xf32, #tpu.memory_space<vmem>>, vector<5000x128xf32>
    %get3A_2 = arith.constant 0 : index
    %get3A_3 = arith.constant 0 : index
    %get3A_4 = vector.load %arg2[%get3A_2, %get3A_3] : memref<128x128xf32, #tpu.memory_space<vmem>>, vector<128x128xf32>
    %dot_general3A = arith.constant dense<0.000000e+00> : vector<5000x128xf32>
    %dot_general3A_5 = tpu.matmul %get3A_1, %get3A_4, %dot_general3A {dimension_numbers = #tpu.dot_dimension_numbers<[1], [0], [0], [1], [0, 0, 1, 1], [], []>, transpose_lhs_hint = false} : vector<5000x128xf32>, vector<128x128xf32>, vector<5000x128xf32> -> vector<5000x128xf32>
    %get3A_6 = arith.constant 0 : index
    %get3A_7 = arith.constant 0 : index
    %get3A_8 = vector.load %arg3[%get3A_6, %get3A_7] : memref<1x128xf32, #tpu.memory_space<vmem>>, vector<1x128xf32>
    %add3A = vector.broadcast %get3A_8 : vector<1x128xf32> to vector<5000x128xf32>
    %add3A_9 = arith.addf %dot_general3A_5, %add3A : vector<5000x128xf32>
    %max3A = arith.constant 0.000000e+00 : f32
    %max3A_10 = vector.broadcast %max3A : f32 to vector<5000x128xf32>
    %max3A_11 = arith.maximumf %add3A_9, %max3A_10 : vector<5000x128xf32>
    %get3A_12 = arith.constant 0 : index
    %get3A_13 = arith.constant 0 : index
    %get3A_14 = vector.load %arg4[%get3A_12, %get3A_13] : memref<128x128xf32, #tpu.memory_space<vmem>>, vector<128x128xf32>
    %dot_general3A_15 = arith.constant dense<0.000000e+00> : vector<5000x128xf32>
    %dot_general3A_16 = tpu.matmul %max3A_11, %get3A_14, %dot_general3A_15 {dimension_numbers = #tpu.dot_dimension_numbers<[1], [0], [0], [1], [0, 0, 1, 1], [], []>, transpose_lhs_hint = false} : vector<5000x128xf32>, vector<128x128xf32>, vector<5000x128xf32> -> vector<5000x128xf32>
    %swap3A = arith.constant 0 : index
    %swap3A_17 = arith.constant 0 : index
    %swap3A_18 = vector.load %arg5[%swap3A, %swap3A_17] : memref<5000x128xf32, #tpu.memory_space<vmem>>, vector<5000x128xf32>
    tpu.vector_store %arg5[%swap3A, %swap3A_17], %dot_general3A_16 {strides = array<i32>} : memref<5000x128xf32, #tpu.memory_space<vmem>>, vector<5000x128xf32>,
    return
  }
  func.func @transform_0(%arg0: i32) -> (i32, i32) {
    %c0_i32 = arith.constant 0 : i32
    %c0_i32_0 = arith.constant 0 : i32
    return %arg0, %c0_i32 : i32, i32
  }
  func.func @transform_1(%arg0: i32) -> (i32, i32) {
    %c0_i32 = arith.constant 0 : i32
    %c0_i32_0 = arith.constant 0 : i32
    %c0_i32_1 = arith.constant 0 : i32
    return %c0_i32, %c0_i32_0 : i32, i32
  }
  func.func @transform_2(%arg0: i32) -> (i32, i32) {
    %c0_i32 = arith.constant 0 : i32
    %c0_i32_0 = arith.constant 0 : i32
    %c0_i32_1 = arith.constant 0 : i32
    return %c0_i32, %c0_i32_0 : i32, i32
  }
  func.func @transform_3(%arg0: i32) -> (i32, i32) {
    %c0_i32 = arith.constant 0 : i32
    %c0_i32_0 = arith.constant 0 : i32
    %c0_i32_1 = arith.constant 0 : i32
    return %c0_i32, %c0_i32_0 : i32, i32
  }
  func.func @transform_4(%arg0: i32) -> (i32, i32) {
    %c0_i32 = arith.constant 0 : i32
    %c0_i32_0 = arith.constant 0 : i32
    return %arg0, %c0_i32 : i32, i32
  }
}

module attributes {stable_mosaic.version = 14 : i64} {
  func.func @_combine_body(%arg0: i32, %arg1: memref<1x5000x128xf32, #tpu.memory_space<vmem>>, %arg2: memref<1x5000x128xf32, #tpu.memory_space<vmem>>, %arg3: memref<5000x128xf32, #tpu.memory_space<vmem>>, %arg4: memref<5000x1xf32, #tpu.memory_space<vmem>>, %arg5: memref<1x128xf32, #tpu.memory_space<vmem>>, %arg6: memref<5000x128xf32, #tpu.memory_space<vmem>>) attributes {dimension_semantics = [#tpu.dimension_semantics<arbitrary>], iteration_bounds = array<i64: 2>, scalar_prefetch = 0 : i64, scratch_operands = 0 : i64, tpu.core_type = #tpu.core_type<tc>, window_params = [{transform_indices = @transform_0, window_bounds = array<i64: 1, 5000, 128>}, {transform_indices = @transform_1, window_bounds = array<i64: 1, 5000, 128>}, {transform_indices = @transform_2, window_bounds = array<i64: 5000, 128>}, {transform_indices = @transform_3, window_bounds = array<i64: 5000, 1>}, {pipeline_mode = #tpu.pipeline_mode<synchronous>, transform_indices = @transform_4, window_bounds = array<i64: 1, 128>}, {transform_indices = @transform_5, window_bounds = array<i64: 5000, 128>}]} {
    %get3A = arith.constant 0 : index
    %get3A_0 = arith.constant 0 : index
    %get3A_1 = vector.load %arg4[%get3A, %get3A_0] : memref<5000x1xf32, #tpu.memory_space<vmem>>, vector<5000x1xf32>
    %get3A_2 = arith.constant 0 : index
    %get3A_3 = arith.constant 0 : index
    %get3A_4 = arith.constant 0 : index
    %get3A_5 = vector.load %arg1[%get3A_2, %get3A_3, %get3A_4] : memref<1x5000x128xf32, #tpu.memory_space<vmem>>, vector<1x5000x128xf32>
    %get3A_6 = vector.shape_cast %get3A_5 : vector<1x5000x128xf32> to vector<5000x128xf32>
    %get3A_7 = arith.constant 0 : index
    %get3A_8 = arith.constant 0 : index
    %get3A_9 = arith.constant 0 : index
    %get3A_10 = vector.load %arg2[%get3A_7, %get3A_8, %get3A_9] : memref<1x5000x128xf32, #tpu.memory_space<vmem>>, vector<1x5000x128xf32>
    %get3A_11 = vector.shape_cast %get3A_10 : vector<1x5000x128xf32> to vector<5000x128xf32>
    %add3A = arith.addf %get3A_6, %get3A_11 : vector<5000x128xf32>
    %get3A_12 = arith.constant 0 : index
    %get3A_13 = arith.constant 0 : index
    %get3A_14 = vector.load %arg3[%get3A_12, %get3A_13] : memref<5000x128xf32, #tpu.memory_space<vmem>>, vector<5000x128xf32>
    %add3A_15 = arith.addf %add3A, %get3A_14 : vector<5000x128xf32>
    %mul3A = vector.broadcast %get3A_1 : vector<5000x1xf32> to vector<5000x128xf32>
    %mul3A_16 = arith.mulf %mul3A, %add3A_15 : vector<5000x128xf32>
    %get3A_17 = arith.constant 0 : index
    %get3A_18 = arith.constant 0 : index
    %get3A_19 = vector.load %arg5[%get3A_17, %get3A_18] : memref<1x128xf32, #tpu.memory_space<vmem>>, vector<1x128xf32>
    %add3A_20 = vector.broadcast %get3A_19 : vector<1x128xf32> to vector<5000x128xf32>
    %add3A_21 = arith.addf %mul3A_16, %add3A_20 : vector<5000x128xf32>
    %swap3A = arith.constant 0 : index
    %swap3A_22 = arith.constant 0 : index
    %swap3A_23 = vector.load %arg6[%swap3A, %swap3A_22] : memref<5000x128xf32, #tpu.memory_space<vmem>>, vector<5000x128xf32>
    tpu.vector_store %arg6[%swap3A, %swap3A_22], %add3A_21 {strides = array<i32>} : memref<5000x128xf32, #tpu.memory_space<vmem>>, vector<5000x128xf32>,
    return
  }
  func.func @transform_0(%arg0: i32) -> (i32, i32, i32) {
    %c0_i32 = arith.constant 0 : i32
    %c0_i32_0 = arith.constant 0 : i32
    %c0_i32_1 = arith.constant 0 : i32
    return %c0_i32, %arg0, %c0_i32_0 : i32, i32, i32
  }
  func.func @transform_1(%arg0: i32) -> (i32, i32, i32) {
    %c1_i32 = arith.constant 1 : i32
    %c0_i32 = arith.constant 0 : i32
    %c0_i32_0 = arith.constant 0 : i32
    return %c1_i32, %arg0, %c0_i32 : i32, i32, i32
  }
  func.func @transform_2(%arg0: i32) -> (i32, i32) {
    %c0_i32 = arith.constant 0 : i32
    %c0_i32_0 = arith.constant 0 : i32
    return %arg0, %c0_i32 : i32, i32
  }
  func.func @transform_3(%arg0: i32) -> (i32, i32) {
    %c0_i32 = arith.constant 0 : i32
    %c0_i32_0 = arith.constant 0 : i32
    return %arg0, %c0_i32 : i32, i32
  }
  func.func @transform_4(%arg0: i32) -> (i32, i32) {
    %c0_i32 = arith.constant 0 : i32
    %c0_i32_0 = arith.constant 0 : i32
    %c0_i32_1 = arith.constant 0 : i32
    return %c0_i32, %c0_i32_0 : i32, i32
  }
  func.func @transform_5(%arg0: i32) -> (i32, i32) {
    %c0_i32 = arith.constant 0 : i32
    %c0_i32_0 = arith.constant 0 : i32
    return %arg0, %c0_i32 : i32, i32
  }
}

</mosaic_0001>

<sc_bundles>
// kernel: kernel.10.cloned.1.call-start
scs
__scs_entry_jumppad:
0x0: {  	(pc) =	sbr.rel $0x88, $3  }
0x1: {  	(tag) =	ssettag $0x0;
	lr =	simm.s32 $0x1  }
0x2: {  	[smem:$0x3F9B] =	sst lr;
	_ =	strace $0xD0000000  }
0x3: {  	_ = 	snop  }
0x4: {  	_ = 	snop  }
0x5: {  	_ = 	snop  }
0x6: {  	_ = 	snop  }
0x7: {  	_ = 	snop  }
__scs_overlays_trampoline_lowered:
0x8: {  	[smem:$0x3FAA] =	sst s0  }
0x9: {  	[smem:$0x3FAB] =	sst s1  }
0xa: {  	[smem:$0x3FAC] =	sst s2  }
0xb: {  	[smem:$0x3FAD] =	sst s3  }
0xc: {  	[smem:$0x3FAE] =	sst s4  }
0xd: {  	[smem:$0x3FAF] =	sst s5  }
0xe: {  	[smem:$0x3FB0] =	sst s6  }
0xf: {  	[smem:$0x3FB1] =	sst s7  }
0x10: {  	[smem:$0x3FB2] =	sst s8  }
0x11: {  	[smem:$0x3FB3] =	sst s9;
	s0 =	simm.s32 @!p0 $0x0  }
0x12: {  	s1 =	sld [smem:$0x3F99];
	s0 =	simm.s32 @p0 $0x1  }
0x13: {  	[smem:$0x3FB4] =	sst s0;
	s0 =	simm.s32 @!p1 $0x0  }
0x14: {  	s2 =	sld [smem:$0x3F98];
	s0 =	simm.s32 @p1 $0x1  }
0x15: {  	[smem:$0x3FB5] =	sst s0;
	s0 =	simm.s32 @!p2 $0x0  }
0x16: {  	s3 =	sld [smem:$0x3FDB];
	s0 =	simm.s32 @p2 $0x1  }
0x17: {  	s4 =	simm.s32 $0x1BF5;
	[smem:$0x3FB7] =	sst s0  }
0x18: {  	s0 =	sld [smem:$0x3F9A];
	_ =	swait.ge [sflag:s4], $0x0  }
0x19: {  	s7 =	sld [smem:$0x3F9B]  }
0x1a: {  	s8 =	sadd.s32 $0xFFFFE003, lr  }
0x1b: {  	s9 =	sadd.s32 $0xFFFFFEF7, lr;
	s5 =	simm.s32 $0xFFFFFFFF;
	p2 =	slt.u32 s8, $0xFFFFF086  }
0x1c: {  	p1 =	slt.u32 s9, $0xF7A;
	s5 =	simm.s32 @!p2 $0x0  }
0x1d: {  	s5 =	simm.s32 @p1 $0x1;
	p0 =	seq.s32 s7, s2  }
0x1e: {  	s7 =	smul.u32 @!p0 $0xF7A, s2;
	p2 =	seq.s32 @!p0 s5, $0x0  }
0x1f: {  	s9 =	smul.u32 $0xF7A, s1;
	s8 =	simm.s32 @!p0 $0x1BF5;
	p2 =	por !p2, p0  }
0x20: {  	[sflag:s8] =	ssyncset.s32 @!p0 $0xFFFFF086;
	s6 =	sadd.s32 @!p0 s3, s7;
	s7 =	simm.s32 @!p0 $0x108  }
0x21: {  	s3 =	sadd.s32 s3, s9;
	s6 =	sadd.s32 @!p0 $0x88, s6;
	s7 =	simm.s32 @p2 $0x1082  }
0x22: {  	[simem:s7], [sflag:s8] =	dma.local @!p0 [hbm:s6], $0xF7A  }
0x23: {  	s9 =	sor.u32 $0xD0000000, s2;
	s6 =	simm.s32 $0x108;
	_ =	swait.ge @!p0 [sflag:s8], $0x0  }
0x24: {  	s3 =	sadd.s32 $0x88, s3;
	s6 =	simm.s32 @!p1 $0x1082;
	[sflag:s4] =	ssyncset.s32 $0xFFFFF086  }
0x25: {  	[simem:s6], [sflag:s4] =	dma.local [hbm:s3], $0xF7A  }
0x26: {  	[smem:$0x3F9B] =	sst s1;
	(tag) =	ssettag s2;
	_ =	strace s9  }
0x27: {  	s1 =	sld [smem:$0x3FAB]  }
0x28: {  	s2 =	sld [smem:$0x3FAC]  }
0x29: {  	s4 =	sld [smem:$0x3FAE]  }
0x2a: {  	p0 =	seq.s32 s5, $0x0;
	s5 =	sld [smem:$0x3FAF]  }
0x2b: {  	s6 =	sld [smem:$0x3FB0]  }
0x2c: {  	s7 =	sld [smem:$0x3FB1]  }
0x2d: {  	s3 =	simm.s32 $0x108;
	s8 =	sld [smem:$0x3FB2]  }
0x2e: {  	s3 =	simm.s32 @!p0 $0x1082;
	s9 =	sld [smem:$0x3FB3]  }
0x2f: {  	lr =	sadd.s32 s0, s3;
	s0 =	sld [smem:$0x3FAA]  }
0x30: {  	s3 =	sld [smem:$0x3FAD]  }
0x31: {  	[smem:$0x3FB6] =	sst s10  }
0x32: {  	s10 =	sld [smem:$0x3FB4];
	_ =	sdelay $0x3  }
0x33: {  	p0 =	seq.s32 s10, $0x1;
	s10 =	sld [smem:$0x3FB6];
	_ =	sdelay $0x3  }
0x34: {  	[smem:$0x3FB6] =	sst s10  }
0x35: {  	s10 =	sld [smem:$0x3FB5];
	_ =	sdelay $0x3  }
0x36: {  	p1 =	seq.s32 s10, $0x1;
	s10 =	sld [smem:$0x3FB6];
	_ =	sdelay $0x3  }
0x37: {  	[smem:$0x3FB6] =	sst s10  }
0x38: {  	s10 =	sld [smem:$0x3FB7]  }
0x39: {  	_ = 	snop;
	(pc) =	sbr.ind lr, $3  }
0x3a: {  	_ = 	snop  }
0x3b: {  	_ = 	snop  }
0x3c: {  	p2 =	seq.s32 s10, $0x1;
	s10 =	sld [smem:$0x3FB6]  }
0x3d: {  	_ =	shalt  }
0x3e: {  	_ =	shalt  }
0x3f: {  	_ =	shalt  }
0x40: {  	_ =	shalt  }
0x41: {  	_ =	shalt  }
0x42: {  	_ =	shalt  }
0x43: {  	_ =	shalt  }
0x44: {  	_ =	shalt  }
0x45: {  	_ =	shalt  }
0x46: {  	_ =	shalt  }
0x47: {  	_ =	shalt  }
0x48: {  	_ =	shalt  }
0x49: {  	_ =	shalt  }
0x4a: {  	_ =	shalt  }
0x4b: {  	_ =	shalt  }
0x4c: {  	_ =	shalt  }
0x4d: {  	_ =	shalt  }
0x4e: {  	_ =	shalt  }
0x4f: {  	_ =	shalt  }
0x50: {  	_ =	shalt  }
0x51: {  	_ =	shalt  }
0x52: {  	_ =	shalt  }
0x53: {  	_ =	shalt  }
0x54: {  	_ =	shalt  }
0x55: {  	_ =	shalt  }
0x56: {  	_ =	shalt  }
0x57: {  	_ =	shalt  }
0x58: {  	_ =	shalt  }
0x59: {  	_ =	shalt  }
0x5a: {  	_ =	shalt  }
0x5b: {  	_ =	shalt  }
0x5c: {  	_ =	shalt  }
0x5d: {  	_ =	shalt  }
0x5e: {  	_ =	shalt  }
0x5f: {  	_ =	shalt  }
0x60: {  	_ =	shalt  }
0x61: {  	_ =	shalt  }
0x62: {  	_ =	shalt  }
0x63: {  	_ =	shalt  }
0x64: {  	_ =	shalt  }
0x65: {  	_ =	shalt  }
0x66: {  	_ =	shalt  }
0x67: {  	_ =	shalt  }
0x68: {  	_ =	shalt  }
0x69: {  	_ =	shalt  }
0x6a: {  	_ =	shalt  }
0x6b: {  	_ =	shalt  }
0x6c: {  	_ =	shalt  }
0x6d: {  	_ =	shalt  }
0x6e: {  	_ =	shalt  }
0x6f: {  	_ =	shalt  }
0x70: {  	_ =	shalt  }
0x71: {  	_ =	shalt  }
0x72: {  	_ =	shalt  }
0x73: {  	_ =	shalt  }
0x74: {  	_ =	shalt  }
0x75: {  	_ =	shalt  }
0x76: {  	_ =	shalt  }
0x77: {  	_ =	shalt  }
0x78: {  	_ =	shalt  }
0x79: {  	_ =	shalt  }
0x7a: {  	_ =	shalt  }
0x7b: {  	_ =	shalt  }
0x7c: {  	_ =	shalt  }
0x7d: {  	_ =	shalt  }
0x7e: {  	_ =	shalt  }
0x7f: {  	_ =	shalt  }
0x80: {  	_ =	shalt  }
0x81: {  	_ =	shalt  }
0x82: {  	_ =	shalt  }
0x83: {  	_ =	shalt  }
0x84: {  	_ =	shalt  }
0x85: {  	_ =	shalt  }
0x86: {  	_ =	shalt  }
0x87: {  	_ =	shalt  }
.Lfunc_end0:
.L_simem_size_0:
called_computation.1_lowered:
.L_overlay_start_0:
0x88: {  	s2 =	sld [smem:$0x3FD9]  }
0x89: {  	s3 =	sld [smem:$0x3FFE];
	_ =	sdelay $0x1  }
0x8a: {  	s1 =	srdreg.scid  }
0x8b: {  	s0 =	sand.u32 $0x1, s1  }
0x8c: {  	s17 =	sshll.u32 s0, $0xA;
	s2 =	sadd.s32 s3, s2  }
0x8d: {  	s2 =	sadd.s32 s2, s17  }
0x8e: {  	[smem:$0x3FC2] =	sst s2  }
0x8f: {  	_ = 	snop  }
0x90: {  	s2 =	sld [smem:$0x3FD0];
	(tm) =	ssettm $0x1  }
0x91: {  	s18 =	sld [smem:$0x3FFB];
	_ =	sdelay $0x3  }
0x92: {  	_ =	strace s18  }
0x93: {  	s3 =	sld [smem:$0x3FFC];
	_ =	sdelay $0x3  }
0x94: {  	_ =	strace s3  }
0x95: {  	s3 =	sld [smem:$0x3FFD];
	_ =	sdelay $0x3  }
0x96: {  	_ =	strace s3  }
0x97: {  	_ =	strace $0x8FFFFFFF  }
0x98: {  	s19 =	sld [smem:$0x3FDB];
	_ =	sdelay $0x1  }
0x99: {  	s4 =	simm.s32 $_scs_section_size  }
0x9a: {  	s5 =	simm.s32 $_size__tile_overlayer_lowered;
	s6 =	simm.s32 $_tile_overlayer_lowered  }
0x9b: {  	s22 =	simm.s32 $0x1BFF;
	s21 =	sshll.u32 s6, $0x1;
	s3 =	sadd.s32 s4, s19  }
0x9c: {  	s7 =	simm.s32 $0x0;
	s20 =	sshll.u32 s5, $0x1;
	s5 =	sadd.s32 s21, s3  }
0x9d: {  	[timem:s7], [sflag:s22] =	dma.local [hbm:s5], s20  }
0x9e: {  	_ =	swait.ge [sflag:s22], s20  }
0x9f: {  	s4 =	ssub.s32 $0x0, s20;
	[sflag:s22] =	ssyncset.done $0x0  }
0xa0: {  	[sflag:s22] =	ssyncadd.s32 s4;
	_ =	sdelay $0x1  }
0xa1: {  	s23 =	simm.s32 $0x1B8B  }
0xa2: {  	_ =	swait.ge [sflag:s23], $0x1  }
0xa3: {  	[sflag:s23] =	ssyncset.done $0x0  }
0xa4: {  	s25 =	simm.s32 $0x1B8E;
	s24 =	sld [smem:$0x3FFE];
	[sflag:s23] =	ssyncadd.s32 $0xFFFFFFFF  }
0xa5: {  	s26 =	simm.s32 $execute0_lowered;
	[smem:$0x3FD2] =	sst s25  }
0xa6: {  	s5 =	sshll.u32 s26, $0x1;
	_ =	strace $0x80000049;
	[dreg:$0x1] =	wrdreg $0xFFFFFFFF  }
0xa7: {  	s28 =	simm.s32 $_size_execute0_lowered;
	s3 =	sadd.s32 s3, s5;
	[dreg:$0x0] =	wrdreg $0x0  }
0xa8: {  	s5 =	sshll.u32 s28, $0x1;
	[dreg:$0x2] =	wrdreg s3  }
0xa9: {  	[dreg:$0x3] =	wrdreg s5  }
0xaa: {  	[dreg:$0x4] =	wrdreg $0xC0  }
0xab: {  	_ =	task [dreg:s7], $0x5FFFF  }
0xac: {  	[dreg:$0x1] =	wrdreg $0xFFFFFFFF  }
0xad: {  	[dreg:$0x0] =	wrdreg $0x60  }
0xae: {  	[dreg:$0x2] =	wrdreg s24  }
0xaf: {  	[dreg:$0x3] =	wrdreg s2  }
0xb0: {  	[dreg:$0x4] =	wrdreg $0xB0000  }
0xb1: {  	[dreg:$0x5] =	wrdreg $0x9  }
0xb2: {  	_ =	task.clear_ibuf [dreg:s7], $0x6FFFF;
	_ =	strace $0x90000049  }
0xb3: {  	s29 =	simm.s32 $0x9;
	_ =	strace $0x8000004B  }
0xb4: {  	_ =	swait.ge [sflag:s29], $0x1  }
0xb5: {  	[sflag:s29] =	ssyncadd.s32 $0xFFFFFFFF  }
0xb6: {  	_ =	strace $0x9000004B  }
0xb7: {  	_ =	sfence  }
0xb8: {  	s30 =	sld [smem:$0x0];
	_ =	sdelay $0x2  }
0xb9: {  	s31 =	sshll.u32 s1, $0xD;
	s1 =	sshrl.u32 s1, $0x2  }
0xba: {  	s3 =	sand.u32 $0x4000, s31;
	s1 =	sadd.s32 s1, s30  }
0xbb: {  	s0 =	sor.u32 s3, s0;
	s1 =	sshll.u32 s1, $0x11  }
0xbc: {  	s0 =	sor.u32 s1, s0  }
0xbd: {  	s0 =	sadd.s32 $0x8F2B, s0  }
0xbe: {  	[sflag:s0] =	ssyncadd.remote.s32 $0x1  }
0xbf: {  	_ =	sfence.sel $0xFFFF  }
0xc0: {  	[dreg:$0x0] =	wrdreg $0xFFFFFFFF;
	(pc) =	sbr.abs _section_cstart, $3  }
0xc1: {  	[dreg:$0x1] =	wrdreg $0xFFFFFFFF  }
0xc2: {  	_ =	task.clear_ibuf [dreg:s7], $0x2FFFF;
	_ =	strace $0x9FFFFFFF  }
0xc3: {  	(tm) =	ssettm $0x7FFFFFFF  }
tec
execute0_lowered:
.L_overlay_start_1:
0x0: {  	(tag) =	ssettag $0x1  }
0x1: {  	s0 =	rddreg [dreg:$0x0]  }
0x2: {  	s1 =	srdreg.scid;
	s2 =	rddreg [dreg:$0x1]  }
0x3: {  	s3 =	rddreg [dreg:$0x2];
	s8 =	stileid.u32  }
0x4: {  	s4 =	simm.s32 $0x0;
	s18 =	simm.s32 $0x4;
	s28 =	simm.s32 $0x1  }
0x5: {  	s29 =	simm.s32 $0x2;
	s30 =	simm.s32 $0x2700;
	s31 =	simm.s32 $0x2780  }
0x6: {  	s1 =	sand.u32 $0x1, s1;
	[smem:$0x7FF] =	sst s4;
	s7 =	smul.u32 $0x50000, s8  }
0x7: {  	s13 =	smul.u32 $0x14000, s8;
	s5 =	sshll.u32 s1, $0x4;
	_ =	strace $0x8000004A  }
0x8: {  	s6 =	ssub.s32 $0x2, s1;
	s1 =	smul.u32 $0x140000, s1;
	s5 =	sor.u32 s8, s5  }
0x9: {  	s19 =	sshrl.u32 s6, $0x1;
	s20 =	sshrl.u32 s7, $0x2;
	s12 =	sadd.s32 $0x4000, s13  }
0xa: {  	s14 =	sadd.s32 $0x8000, s13;
	s24 =	sadd.s32 $0xC000, s13;
	s17 =	sadd.s32 $0x10000, s13  }
0xb: {  	s5 =	smul.u32 $0x2800, s5;
	s6 =	ssub.s32 s6, s19;
	s10 =	sadd.s32 s13, s1  }
0xc: {  	s11 =	sadd.s32 s1, s12;
	s15 =	sadd.s32 s1, s14;
	s16 =	sadd.s32 s1, s24  }
0xd: {  	s1 =	sadd.s32 s1, s17;
	s24 =	sadd.s32 s24, s3;
	s26 =	sadd.s32 s17, s3  }
0xe: {  	s17 =	simm.s32 $0x3;
	s19 =	simm.s32 $0x1400;
	s10 =	sshrl.u32 s10, $0x3  }
0xf: {  	s11 =	sshrl.u32 s11, $0x3;
	s23 =	sshrl.u32 s15, $0x3;
	s25 =	sshrl.u32 s16, $0x3  }
0x10: {  	s1 =	sshrl.u32 s1, $0x3;
	s15 =	smax.u32 s6, $0x1;
	s5 =	sshrl.u32 s5, $0x3  }
0x11: {  	s16 =	simm.s32 $0xA800;
	s24 =	sshrl.u32 s24, $0x3;
	s9 =	sadd.s32 s5, s0  }
0x12: {  	s0 =	sadd.s32 $0x16600, s0;
	s5 =	sadd.s32 s20, s3;
	s20 =	simm.s32 $0x80  }
0x13: {  	s21 =	sadd.s32 $0x2600, s9;
	s22 =	sadd.s32 $0xC600, s9;
	s8 =	sadd.s32 $0x2880, s9  }
0x14: {  	s9 =	sadd.s32 $0xC880, s9;
	s10 =	sadd.s32 s0, s10;
	s11 =	sadd.s32 s0, s11  }
0x15: {  	s13 =	sadd.s32 s0, s25;
	s25 =	sshrl.u32 s26, $0x3;
	[dreg:$0x4] =	wrdreg s21  }
0x16: {  	s26 =	simm.s32 $0x6800;
	[dreg:$0x5] =	wrdreg s22;
	s22 =	sadd.s32 s12, s3  }
0x17: {  	s12 =	sadd.s32 s0, s23;
	s23 =	sadd.s32 s14, s3;
	s14 =	sadd.s32 s0, s1  }
0x18: {  	v0 =	vimm.f32 $0.0e+00;
	s21 =	simm.s32 $0x2800;
	s22 =	sshrl.u32 s22, $0x3;
	s23 =	sshrl.u32 s23, $0x3  }
.LBB2_1:
0x19: {  	s0 =	simm.s32 $0x0;
	s1 =	simm.s32 $0x200  }
.LBB2_2:
0x1a: {  	p0 =	sne.s32 s1, $0x1E00;
	[tilespmem:s0+$0xA870] =	vst v0  }
0x1b: {  	[tilespmem:s0+$0xA800] =	vst v0  }
0x1c: {  	[tilespmem:s0+$0xA810] =	vst v0  }
.Ltmp0:
0x1d: {  	[tilespmem:s0+$0xA820] =	vst v0;
	(pc) =	sbr.rel @p0 .LBB2_2-.Ltmp0, $4  }
0x1e: {  	[tilespmem:s0+$0xA830] =	vst v0  }
0x1f: {  	[tilespmem:s0+$0xA840] =	vst v0  }
0x20: {  	[tilespmem:s0+$0xA850] =	vst v0  }
0x21: {  	[tilespmem:s0+$0xA860] =	vst v0;
	s0 =	sshra.s32 s1, $0x2;
	s1 =	sadd.s32 $0x200, s1  }
0x22: {  	[tilespmem:s0+$0xA870] =	vst v0  }
0x23: {  	[tilespmem:s0+$0xA800] =	vst v0  }
0x24: {  	[tilespmem:s0+$0xA810] =	vst v0  }
0x25: {  	[tilespmem:s0+$0xA820] =	vst v0  }
0x26: {  	[tilespmem:s0+$0xA830] =	vst v0  }
0x27: {  	[tilespmem:s0+$0xA840] =	vst v0  }
0x28: {  	[tilespmem:s0+$0xA850] =	vst v0  }
0x29: {  	[tilespmem:s0+$0xA860] =	vst v0;
	s0 =	sadd.s32 $0x0, s5  }
0x2a: {  	[spmem:s0] =	stream.linear.scatter [tilespmem:s16], [sflag:$0x3], $0x800, $0x38;
	[tilespmem:$0x1F000] =	vst v63  }
0x2b: {  	s1 =	sadd.s32 $0x800, s0  }
0x2c: {  	[spmem:s1] =	stream.linear.scatter [tilespmem:s16], [sflag:$0x3], $0x800, $0x38;
	[tilespmem:$0x1F000] =	vst v63  }
0x2d: {  	s7 =	sadd.s32 $0x1000, s0  }
0x2e: {  	[spmem:s7] =	stream.linear.scatter [tilespmem:s16], [sflag:$0x3], $0x800, $0x38;
	[tilespmem:$0x1F000] =	vst v63  }
0x2f: {  	s6 =	sadd.s32 $0x1800, s0  }
0x30: {  	[spmem:s6] =	stream.linear.scatter [tilespmem:s16], [sflag:$0x3], $0x800, $0x38;
	[tilespmem:$0x1F000] =	vst v63  }
0x31: {  	s7 =	sadd.s32 $0x2000, s0  }
0x32: {  	[spmem:s7] =	stream.linear.scatter [tilespmem:s16], [sflag:$0x3], $0x800, $0x38;
	[tilespmem:$0x1F000] =	vst v63  }
0x33: {  	s6 =	sadd.s32 $0x2800, s0  }
0x34: {  	[spmem:s6] =	stream.linear.scatter [tilespmem:s16], [sflag:$0x3], $0x800, $0x38;
	[tilespmem:$0x1F000] =	vst v63  }
0x35: {  	s7 =	sadd.s32 $0x3000, s0  }
0x36: {  	[spmem:s7] =	stream.linear.scatter [tilespmem:s16], [sflag:$0x3], $0x800, $0x38;
	[tilespmem:$0x1F000] =	vst v63  }
0x37: {  	s0 =	sadd.s32 $0x3800, s0  }
0x38: {  	[spmem:s0] =	stream.linear.scatter [tilespmem:s16], [sflag:$0x3], $0x800, $0x38;
	[tilespmem:$0x1F000] =	vst v63  }
0x39: {  	_ =	swait.ge [sflag:s17], $0x800  }
0x3a: {  	[sflag:s17] =	ssyncset.done $0x0  }
0x3b: {  	[sflag:s17] =	ssyncadd.s32 $0xFFFFF800  }
0x3c: {  	_ =	swait.ge [sflag:s17], $0x800  }
0x3d: {  	[sflag:s17] =	ssyncset.done $0x0  }
0x3e: {  	[sflag:s17] =	ssyncadd.s32 $0xFFFFF800  }
0x3f: {  	_ =	swait.ge [sflag:s17], $0x800  }
0x40: {  	[sflag:s17] =	ssyncset.done $0x0  }
0x41: {  	[sflag:s17] =	ssyncadd.s32 $0xFFFFF800  }
0x42: {  	_ =	swait.ge [sflag:s17], $0x800  }
0x43: {  	[sflag:s17] =	ssyncset.done $0x0  }
0x44: {  	[sflag:s17] =	ssyncadd.s32 $0xFFFFF800  }
0x45: {  	_ =	swait.ge [sflag:s17], $0x800  }
0x46: {  	[sflag:s17] =	ssyncset.done $0x0  }
0x47: {  	[sflag:s17] =	ssyncadd.s32 $0xFFFFF800  }
0x48: {  	_ =	swait.ge [sflag:s17], $0x800  }
0x49: {  	[sflag:s17] =	ssyncset.done $0x0  }
0x4a: {  	[sflag:s17] =	ssyncadd.s32 $0xFFFFF800  }
0x4b: {  	_ =	swait.ge [sflag:s17], $0x800  }
0x4c: {  	[sflag:s17] =	ssyncset.done $0x0  }
0x4d: {  	[sflag:s17] =	ssyncadd.s32 $0xFFFFF800  }
0x4e: {  	_ =	swait.ge [sflag:s17], $0x800  }
0x4f: {  	s1 =	simm.s32 $0x4000;
	s0 =	simm.s32 $0x20000;
	[sflag:s17] =	ssyncset.done $0x0  }
.LBB2_4:
0x50: {  	s7 =	sadd.s32 s1, s5  }
0x51: {  	[sflag:s17] =	ssyncadd.s32 $0xFFFFF800;
	s1 =	smov.u32 s0;
	s6 =	sadd.s32 $0x10000, s0  }
0x52: {  	[spmem:s7] =	stream.linear.scatter [tilespmem:s16], [sflag:$0x3], $0x800, $0x38;
	[tilespmem:$0x1F000] =	vst v63  }
0x53: {  	p0 =	sne.s32 s0, $0x40000;
	s0 =	sadd.s32 $0x800, s7  }
0x54: {  	[spmem:s0] =	stream.linear.scatter [tilespmem:s16], [sflag:$0x3], $0x800, $0x38;
	[tilespmem:$0x1F000] =	vst v63  }
0x55: {  	s0 =	sadd.s32 $0x1000, s7  }
0x56: {  	[spmem:s0] =	stream.linear.scatter [tilespmem:s16], [sflag:$0x3], $0x800, $0x38;
	[tilespmem:$0x1F000] =	vst v63  }
0x57: {  	s0 =	sadd.s32 $0x1800, s7  }
0x58: {  	[spmem:s0] =	stream.linear.scatter [tilespmem:s16], [sflag:$0x3], $0x800, $0x38;
	[tilespmem:$0x1F000] =	vst v63  }
0x59: {  	s0 =	sadd.s32 $0x2000, s7  }
0x5a: {  	[spmem:s0] =	stream.linear.scatter [tilespmem:s16], [sflag:$0x3], $0x800, $0x38;
	[tilespmem:$0x1F000] =	vst v63  }
0x5b: {  	s0 =	sadd.s32 $0x2800, s7  }
0x5c: {  	[spmem:s0] =	stream.linear.scatter [tilespmem:s16], [sflag:$0x3], $0x800, $0x38;
	[tilespmem:$0x1F000] =	vst v63  }
0x5d: {  	s0 =	sadd.s32 $0x3000, s7  }
0x5e: {  	[spmem:s0] =	stream.linear.scatter [tilespmem:s16], [sflag:$0x3], $0x800, $0x38;
	[tilespmem:$0x1F000] =	vst v63  }
0x5f: {  	s0 =	sadd.s32 $0x3800, s7  }
0x60: {  	[spmem:s0] =	stream.linear.scatter [tilespmem:s16], [sflag:$0x3], $0x800, $0x38;
	[tilespmem:$0x1F000] =	vst v63  }
0x61: {  	_ =	swait.ge [sflag:s17], $0x800  }
0x62: {  	[sflag:s17] =	ssyncset.done $0x0  }
0x63: {  	[sflag:s17] =	ssyncadd.s32 $0xFFFFF800  }
0x64: {  	_ =	swait.ge [sflag:s17], $0x800  }
0x65: {  	[sflag:s17] =	ssyncset.done $0x0  }
0x66: {  	[sflag:s17] =	ssyncadd.s32 $0xFFFFF800  }
0x67: {  	_ =	swait.ge [sflag:s17], $0x800  }
0x68: {  	[sflag:s17] =	ssyncset.done $0x0  }
0x69: {  	[sflag:s17] =	ssyncadd.s32 $0xFFFFF800  }
0x6a: {  	_ =	swait.ge [sflag:s17], $0x800  }
0x6b: {  	[sflag:s17] =	ssyncset.done $0x0  }
0x6c: {  	[sflag:s17] =	ssyncadd.s32 $0xFFFFF800  }
0x6d: {  	_ =	swait.ge [sflag:s17], $0x800  }
0x6e: {  	[sflag:s17] =	ssyncset.done $0x0  }
0x6f: {  	[sflag:s17] =	ssyncadd.s32 $0xFFFFF800  }
0x70: {  	_ =	swait.ge [sflag:s17], $0x800  }
0x71: {  	[sflag:s17] =	ssyncset.done $0x0  }
0x72: {  	[sflag:s17] =	ssyncadd.s32 $0xFFFFF800  }
.Ltmp1:
0x73: {  	_ =	swait.ge [sflag:s17], $0x800;
	(pc) =	sbr.rel @p0 .LBB2_4-.Ltmp1, $4  }
0x74: {  	[sflag:s17] =	ssyncset.done $0x0  }
0x75: {  	[sflag:s17] =	ssyncadd.s32 $0xFFFFF800  }
0x76: {  	_ =	swait.ge [sflag:s17], $0x800  }
0x77: {  	s1 =	sshra.s32 s1, $0x2;
	s0 =	smov.u32 s6;
	[sflag:s17] =	ssyncset.done $0x0  }
0x78: {  	s0 =	sadd.s32 s1, s5;
	[sflag:s17] =	ssyncadd.s32 $0xFFFFF800  }
0x79: {  	[spmem:s0] =	stream.linear.scatter [tilespmem:s16], [sflag:$0x3], $0x800, $0x38;
	[tilespmem:$0x1F000] =	vst v63  }
0x7a: {  	s1 =	sadd.s32 $0x800, s0  }
0x7b: {  	[spmem:s1] =	stream.linear.scatter [tilespmem:s16], [sflag:$0x3], $0x800, $0x38;
	[tilespmem:$0x1F000] =	vst v63  }
0x7c: {  	s7 =	sadd.s32 $0x1000, s0  }
0x7d: {  	[spmem:s7] =	stream.linear.scatter [tilespmem:s16], [sflag:$0x3], $0x800, $0x38;
	[tilespmem:$0x1F000] =	vst v63  }
0x7e: {  	s6 =	sadd.s32 $0x1800, s0  }
0x7f: {  	[spmem:s6] =	stream.linear.scatter [tilespmem:s16], [sflag:$0x3], $0x800, $0x38;
	[tilespmem:$0x1F000] =	vst v63  }
0x80: {  	s7 =	sadd.s32 $0x2000, s0  }
0x81: {  	[spmem:s7] =	stream.linear.scatter [tilespmem:s16], [sflag:$0x3], $0x800, $0x38;
	[tilespmem:$0x1F000] =	vst v63  }
0x82: {  	s6 =	sadd.s32 $0x2800, s0  }
0x83: {  	[spmem:s6] =	stream.linear.scatter [tilespmem:s16], [sflag:$0x3], $0x800, $0x38;
	[tilespmem:$0x1F000] =	vst v63  }
0x84: {  	s7 =	sadd.s32 $0x3000, s0  }
0x85: {  	[spmem:s7] =	stream.linear.scatter [tilespmem:s16], [sflag:$0x3], $0x800, $0x38;
	[tilespmem:$0x1F000] =	vst v63  }
0x86: {  	s0 =	sadd.s32 $0x3800, s0  }
0x87: {  	[spmem:s0] =	stream.linear.scatter [tilespmem:s16], [sflag:$0x3], $0x800, $0x38;
	[tilespmem:$0x1F000] =	vst v63  }
0x88: {  	_ =	swait.ge [sflag:s17], $0x800  }
0x89: {  	[sflag:s17] =	ssyncset.done $0x0  }
0x8a: {  	[sflag:s17] =	ssyncadd.s32 $0xFFFFF800  }
0x8b: {  	_ =	swait.ge [sflag:s17], $0x800  }
0x8c: {  	[sflag:s17] =	ssyncset.done $0x0  }
0x8d: {  	[sflag:s17] =	ssyncadd.s32 $0xFFFFF800  }
0x8e: {  	_ =	swait.ge [sflag:s17], $0x800  }
0x8f: {  	[sflag:s17] =	ssyncset.done $0x0  }
0x90: {  	[sflag:s17] =	ssyncadd.s32 $0xFFFFF800  }
0x91: {  	_ =	swait.ge [sflag:s17], $0x800  }
0x92: {  	[sflag:s17] =	ssyncset.done $0x0  }
0x93: {  	[sflag:s17] =	ssyncadd.s32 $0xFFFFF800  }
0x94: {  	_ =	swait.ge [sflag:s17], $0x800  }
0x95: {  	[sflag:s17] =	ssyncset.done $0x0  }
0x96: {  	[sflag:s17] =	ssyncadd.s32 $0xFFFFF800  }
0x97: {  	_ =	swait.ge [sflag:s17], $0x800  }
0x98: {  	[sflag:s17] =	ssyncset.done $0x0  }
0x99: {  	[sflag:s17] =	ssyncadd.s32 $0xFFFFF800  }
0x9a: {  	_ =	swait.ge [sflag:s17], $0x800  }
0x9b: {  	[sflag:s17] =	ssyncset.done $0x0  }
0x9c: {  	[sflag:s17] =	ssyncadd.s32 $0xFFFFF800  }
0x9d: {  	_ =	swait.ge [sflag:s17], $0x800  }
0x9e: {  	[sflag:s17] =	ssyncset.done $0x0  }
0x9f: {  	[sflag:s17] =	ssyncadd.s32 $0xFFFFF800  }
0xa0: {  	[bflag:$0x0] =	sbarrier.arrive $0xFFFF  }
0xa1: {  	s0 =	simm.s32 $0x0;
	s6 =	rddreg [dreg:$0x4]  }
0xa2: {  	[tilespmem:s0], [sflag:$0x4] =	stream.linear.gather [hbm4b:s6+s0], $0x1400, $0x38;
	[tilespmem:$0x1F000] =	vst v63  }
0xa3: {  	_ =	swait.ge [sflag:s18], $0x1400  }
0xa4: {  	[sflag:s18] =	ssyncset.done $0x0  }
0xa5: {  	s7 =	rddreg [dreg:$0x5];
	[sflag:s18] =	ssyncadd.s32 $0xFFFFEC00  }
0xa6: {  	[tilespmem:s19], [sflag:$0x4] =	stream.linear.gather [hbm4b:s7+s0], $0x1400, $0x38;
	[tilespmem:$0x1F000] =	vst v63  }
0xa7: {  	_ =	swait.ge [sflag:s18], $0x1400  }
0xa8: {  	[sflag:s18] =	ssyncset.done $0x0  }
0xa9: {  	[sflag:s18] =	ssyncadd.s32 $0xFFFFEC00  }
0xaa: {  	[tilespmem:s21], [sflag:$0x1] =	stream.indirect.gather [hbm4b:s2+s20], $0x80, s0, s20, $0xb8;
	[tilespmem:$0x1F000] =	vst v63  }
0xab: {  	_ = 	snop  }
0xac: {  	[tilespmem:s26], [sflag:$0x2] =	stream.indirect.gather [hbm4b:s2+s20], $0x80, s20, s20, $0xb8;
	[tilespmem:$0x1F000] =	vst v63  }
0xad: {  	_ =	swait.ge [sflag:s28], $0x4000  }
0xae: {  	[sflag:s28] =	ssyncset.done $0x0  }
0xaf: {  	s1 =	simm.s32 $0x1400;
	[sflag:s28] =	ssyncadd.s32 $0xFFFFC000  }
0xb0: {  	[spmem:s3] =	stream.indirect.scatter.add.f32 [tilespmem:s21], [sflag:$0x4], $0x80, s1, s20, $0xb8;
	[tilespmem:$0x1F000] =	vst v63  }
0xb1: {  	_ =	swait.ge [sflag:s18], $0x4000  }
0xb2: {  	[sflag:s18] =	ssyncset.done $0x0  }
0xb3: {  	s6 =	simm.s32 $0x100;
	[sflag:s18] =	ssyncadd.s32 $0xFFFFC000  }
0xb4: {  	[tilespmem:s21], [sflag:$0x1] =	stream.indirect.gather [hbm4b:s2+s20], $0x80, s6, s20, $0xb8;
	[tilespmem:$0x1F000] =	vst v63  }
0xb5: {  	_ =	swait.ge [sflag:s29], $0x4000  }
0xb6: {  	[sflag:s29] =	ssyncset.done $0x0  }
0xb7: {  	s7 =	simm.s32 $0x1480;
	[sflag:s29] =	ssyncadd.s32 $0xFFFFC000  }
0xb8: {  	[spmem:s3] =	stream.indirect.scatter.add.f32 [tilespmem:s26], [sflag:$0x4], $0x80, s7, s20, $0xb8;
	[tilespmem:$0x1F000] =	vst v63  }
0xb9: {  	_ =	swait.ge [sflag:s18], $0x4000  }
0xba: {  	[sflag:s18] =	ssyncset.done $0x0  }
0xbb: {  	s0 =	simm.s32 $0x400;
	s1 =	simm.s32 $0x180;
	[sflag:s18] =	ssyncadd.s32 $0xFFFFC000  }
.LBB2_6:
0xbc: {  	[tilespmem:s26], [sflag:$0x2] =	stream.indirect.gather [hbm4b:s2+s20], $0x80, s1, s20, $0xb8;
	[tilespmem:$0x1F000] =	vst v63  }
0xbd: {  	s1 =	smov.u32 s0  }
0xbe: {  	p0 =	sne.s32 s0, $0x4800;
	s0 =	sadd.s32 $0x400, s0;
	_ =	swait.ge [sflag:s28], $0x4000  }
0xbf: {  	s1 =	sshra.s32 s1, $0x2;
	[sflag:s28] =	ssyncset.done $0x0  }
0xc0: {  	s6 =	sadd.s32 $0x1400, s1;
	[sflag:s28] =	ssyncadd.s32 $0xFFFFC000  }
0xc1: {  	[spmem:s3] =	stream.indirect.scatter.add.f32 [tilespmem:s21], [sflag:$0x4], $0x80, s6, s20, $0xb8;
	[tilespmem:$0x1F000] =	vst v63  }
0xc2: {  	_ =	swait.ge [sflag:s18], $0x4000  }
0xc3: {  	[sflag:s18] =	ssyncset.done $0x0  }
0xc4: {  	s6 =	sadd.s32 $0x100, s1;
	[sflag:s18] =	ssyncadd.s32 $0xFFFFC000  }
0xc5: {  	[tilespmem:s21], [sflag:$0x1] =	stream.indirect.gather [hbm4b:s2+s20], $0x80, s6, s20, $0xb8;
	[tilespmem:$0x1F000] =	vst v63  }
0xc6: {  	_ =	swait.ge [sflag:s29], $0x4000  }
0xc7: {  	[sflag:s29] =	ssyncset.done $0x0  }
.Ltmp2:
0xc8: {  	s6 =	sadd.s32 $0x1480, s1;
	[sflag:s29] =	ssyncadd.s32 $0xFFFFC000;
	(pc) =	sbr.rel @p0 .LBB2_6-.Ltmp2, $4  }
0xc9: {  	[spmem:s3] =	stream.indirect.scatter.add.f32 [tilespmem:s26], [sflag:$0x4], $0x80, s6, s20, $0xb8;
	[tilespmem:$0x1F000] =	vst v63  }
0xca: {  	_ =	swait.ge [sflag:s18], $0x4000  }
0xcb: {  	[sflag:s18] =	ssyncset.done $0x0  }
0xcc: {  	s1 =	sadd.s32 $0x180, s1;
	[sflag:s18] =	ssyncadd.s32 $0xFFFFC000  }
0xcd: {  	[tilespmem:s26], [sflag:$0x2] =	stream.indirect.gather [hbm4b:s2+s20], $0x80, s1, s20, $0xb8;
	[tilespmem:$0x1F000] =	vst v63  }
0xce: {  	_ =	swait.ge [sflag:s28], $0x4000  }
0xcf: {  	[sflag:s28] =	ssyncset.done $0x0  }
0xd0: {  	[sflag:s28] =	ssyncadd.s32 $0xFFFFC000  }
0xd1: {  	[spmem:s3] =	stream.indirect.scatter.add.f32 [tilespmem:s21], [sflag:$0x4], $0x80, s30, s20, $0xb8;
	[tilespmem:$0x1F000] =	vst v63  }
0xd2: {  	_ =	swait.ge [sflag:s18], $0x4000  }
0xd3: {  	[sflag:s18] =	ssyncset.done $0x0  }
0xd4: {  	[sflag:s18] =	ssyncadd.s32 $0xFFFFC000  }
0xd5: {  	_ =	swait.ge [sflag:s29], $0x4000  }
0xd6: {  	[sflag:s29] =	ssyncset.done $0x0  }
0xd7: {  	[sflag:s29] =	ssyncadd.s32 $0xFFFFC000  }
0xd8: {  	[spmem:s3] =	stream.indirect.scatter.add.f32 [tilespmem:s26], [sflag:$0x4], $0x80, s31, s20, $0xb8;
	[tilespmem:$0x1F000] =	vst v63  }
0xd9: {  	_ =	swait.ge [sflag:s18], $0x4000  }
0xda: {  	[sflag:s18] =	ssyncset.done $0x0  }
0xdb: {  	s0 =	simm.s32 $0x0;
	[sflag:s18] =	ssyncadd.s32 $0xFFFFC000  }
0xdc: {  	[tilespmem:s0], [sflag:$0x4] =	stream.linear.gather [hbm4b:s8+s0], $0x1400, $0x38;
	[tilespmem:$0x1F000] =	vst v63  }
0xdd: {  	_ =	swait.ge [sflag:s18], $0x1400  }
0xde: {  	[sflag:s18] =	ssyncset.done $0x0  }
0xdf: {  	[sflag:s18] =	ssyncadd.s32 $0xFFFFEC00  }
0xe0: {  	[tilespmem:s19], [sflag:$0x4] =	stream.linear.gather [hbm4b:s9+s0], $0x1400, $0x38;
	[tilespmem:$0x1F000] =	vst v63  }
0xe1: {  	_ =	swait.ge [sflag:s18], $0x1400  }
0xe2: {  	[sflag:s18] =	ssyncset.done $0x0  }
0xe3: {  	[sflag:s18] =	ssyncadd.s32 $0xFFFFEC00  }
0xe4: {  	[tilespmem:s21], [sflag:$0x1] =	stream.indirect.gather [hbm4b:s2+s20], $0x80, s0, s20, $0xb8;
	[tilespmem:$0x1F000] =	vst v63  }
0xe5: {  	_ = 	snop  }
0xe6: {  	[tilespmem:s26], [sflag:$0x2] =	stream.indirect.gather [hbm4b:s2+s20], $0x80, s20, s20, $0xb8;
	[tilespmem:$0x1F000] =	vst v63  }
0xe7: {  	_ =	swait.ge [sflag:s28], $0x4000  }
0xe8: {  	[sflag:s28] =	ssyncset.done $0x0  }
0xe9: {  	s1 =	simm.s32 $0x1400;
	[sflag:s28] =	ssyncadd.s32 $0xFFFFC000  }
0xea: {  	[spmem:s3] =	stream.indirect.scatter.add.f32 [tilespmem:s21], [sflag:$0x4], $0x80, s1, s20, $0xb8;
	[tilespmem:$0x1F000] =	vst v63  }
0xeb: {  	_ =	swait.ge [sflag:s18], $0x4000  }
0xec: {  	[sflag:s18] =	ssyncset.done $0x0  }
0xed: {  	s6 =	simm.s32 $0x100;
	[sflag:s18] =	ssyncadd.s32 $0xFFFFC000  }
0xee: {  	[tilespmem:s21], [sflag:$0x1] =	stream.indirect.gather [hbm4b:s2+s20], $0x80, s6, s20, $0xb8;
	[tilespmem:$0x1F000] =	vst v63  }
0xef: {  	_ =	swait.ge [sflag:s29], $0x4000  }
0xf0: {  	[sflag:s29] =	ssyncset.done $0x0  }
0xf1: {  	s7 =	simm.s32 $0x1480;
	[sflag:s29] =	ssyncadd.s32 $0xFFFFC000  }
0xf2: {  	[spmem:s3] =	stream.indirect.scatter.add.f32 [tilespmem:s26], [sflag:$0x4], $0x80, s7, s20, $0xb8;
	[tilespmem:$0x1F000] =	vst v63  }
0xf3: {  	_ =	swait.ge [sflag:s18], $0x4000  }
0xf4: {  	[sflag:s18] =	ssyncset.done $0x0  }
0xf5: {  	s0 =	simm.s32 $0x400;
	s1 =	simm.s32 $0x180;
	[sflag:s18] =	ssyncadd.s32 $0xFFFFC000  }
.LBB2_8:
0xf6: {  	[tilespmem:s26], [sflag:$0x2] =	stream.indirect.gather [hbm4b:s2+s20], $0x80, s1, s20, $0xb8;
	[tilespmem:$0x1F000] =	vst v63  }
0xf7: {  	s1 =	smov.u32 s0  }
0xf8: {  	p0 =	sne.s32 s0, $0x4800;
	s0 =	sadd.s32 $0x400, s0;
	_ =	swait.ge [sflag:s28], $0x4000  }
0xf9: {  	s1 =	sshra.s32 s1, $0x2;
	[sflag:s28] =	ssyncset.done $0x0  }
0xfa: {  	s6 =	sadd.s32 $0x1400, s1;
	[sflag:s28] =	ssyncadd.s32 $0xFFFFC000  }
0xfb: {  	[spmem:s3] =	stream.indirect.scatter.add.f32 [tilespmem:s21], [sflag:$0x4], $0x80, s6, s20, $0xb8;
	[tilespmem:$0x1F000] =	vst v63  }
0xfc: {  	_ =	swait.ge [sflag:s18], $0x4000  }
0xfd: {  	[sflag:s18] =	ssyncset.done $0x0  }
0xfe: {  	s6 =	sadd.s32 $0x100, s1;
	[sflag:s18] =	ssyncadd.s32 $0xFFFFC000  }
0xff: {  	[tilespmem:s21], [sflag:$0x1] =	stream.indirect.gather [hbm4b:s2+s20], $0x80, s6, s20, $0xb8;
	[tilespmem:$0x1F000] =	vst v63  }
0x100: {  	_ =	swait.ge [sflag:s29], $0x4000  }
0x101: {  	[sflag:s29] =	ssyncset.done $0x0  }
.Ltmp3:
0x102: {  	s6 =	sadd.s32 $0x1480, s1;
	[sflag:s29] =	ssyncadd.s32 $0xFFFFC000;
	(pc) =	sbr.rel @p0 .LBB2_8-.Ltmp3, $4  }
0x103: {  	[spmem:s3] =	stream.indirect.scatter.add.f32 [tilespmem:s26], [sflag:$0x4], $0x80, s6, s20, $0xb8;
	[tilespmem:$0x1F000] =	vst v63  }
0x104: {  	_ =	swait.ge [sflag:s18], $0x4000  }
0x105: {  	[sflag:s18] =	ssyncset.done $0x0  }
0x106: {  	s1 =	sadd.s32 $0x180, s1;
	[sflag:s18] =	ssyncadd.s32 $0xFFFFC000  }
0x107: {  	[tilespmem:s26], [sflag:$0x2] =	stream.indirect.gather [hbm4b:s2+s20], $0x80, s1, s20, $0xb8;
	[tilespmem:$0x1F000] =	vst v63  }
0x108: {  	_ =	swait.ge [sflag:s28], $0x4000  }
0x109: {  	[sflag:s28] =	ssyncset.done $0x0  }
0x10a: {  	[sflag:s28] =	ssyncadd.s32 $0xFFFFC000  }
0x10b: {  	[spmem:s3] =	stream.indirect.scatter.add.f32 [tilespmem:s21], [sflag:$0x4], $0x80, s30, s20, $0xb8;
	[tilespmem:$0x1F000] =	vst v63  }
0x10c: {  	_ =	swait.ge [sflag:s18], $0x4000  }
0x10d: {  	[sflag:s18] =	ssyncset.done $0x0  }
0x10e: {  	[sflag:s18] =	ssyncadd.s32 $0xFFFFC000  }
0x10f: {  	_ =	swait.ge [sflag:s29], $0x4000  }
0x110: {  	[sflag:s29] =	ssyncset.done $0x0  }
0x111: {  	[sflag:s29] =	ssyncadd.s32 $0xFFFFC000  }
0x112: {  	[spmem:s3] =	stream.indirect.scatter.add.f32 [tilespmem:s26], [sflag:$0x4], $0x80, s31, s20, $0xb8;
	[tilespmem:$0x1F000] =	vst v63  }
0x113: {  	_ =	swait.ge [sflag:s18], $0x4000  }
0x114: {  	s0 =	stileid.u32;
	[sflag:s18] =	ssyncset.done $0x0  }
0x115: {  	s0 =	sshll.u32 s0, $0x6;
	[sflag:s18] =	ssyncadd.s32 $0xFFFFC000  }
0x116: {  	s7 =	sshrl.u32 s5, $0x3;
	s0 =	sor.u32 $0x1C03, s0;
	[bflag:$0x0] =	sbarrier.arrive $0xFFFF  }
0x117: {  	[hbm:s10], [sflag:s0] =	dma.local [spmem:s7], $0x800  }
0x118: {  	[hbm:s11], [sflag:s0] =	dma.local [spmem:s22], $0x800  }
0x119: {  	[hbm:s12], [sflag:s0] =	dma.local [spmem:s23], $0x800  }
0x11a: {  	[hbm:s13], [sflag:s0] =	dma.local [spmem:s24], $0x800  }
0x11b: {  	[hbm:s14], [sflag:s0] =	dma.local [spmem:s25], $0x800  }
0x11c: {  	_ =	swait.ge [sflag:s17], $0x800  }
0x11d: {  	[sflag:s17] =	ssyncset.done $0x0  }
0x11e: {  	[sflag:s17] =	ssyncadd.s32 $0xFFFFF800  }
0x11f: {  	_ =	swait.ge [sflag:s17], $0x800  }
0x120: {  	[sflag:s17] =	ssyncset.done $0x0  }
0x121: {  	[sflag:s17] =	ssyncadd.s32 $0xFFFFF800  }
0x122: {  	_ =	swait.ge [sflag:s17], $0x800  }
0x123: {  	[sflag:s17] =	ssyncset.done $0x0  }
0x124: {  	s4 =	sadd.s32 $0x1, s4;
	[sflag:s17] =	ssyncadd.s32 $0xFFFFF800  }
0x125: {  	p0 =	sne.s32 s4, s15;
	_ =	swait.ge [sflag:s17], $0x800  }
.Ltmp4:
0x126: {  	[sflag:s17] =	ssyncset.done $0x0;
	(pc) =	sbr.rel @p0 .LBB2_1-.Ltmp4, $4  }
0x127: {  	[sflag:s17] =	ssyncadd.s32 $0xFFFFF800  }
0x128: {  	_ =	swait.ge [sflag:s17], $0x800  }
0x129: {  	[sflag:s17] =	ssyncset.done $0x0  }
0x12a: {  	[sflag:s17] =	ssyncadd.s32 $0xFFFFF800  }
0x12b: {  	_ =	sfence.sel $0x180000  }
0x12c: {  	[bflag:$0x0] =	sbarrier.arrive $0xFFFF  }
0x12d: {  	_ =	strace $0x9000004A  }
0x12e: {  	s0 =	stileid.u32;
	[bflag:$0x2] =	sbarrier.arrive $0xFFFF  }
0x12f: {  	p0 =	sne.s32 s0, $0x0;
	s0 =	rddreg [dreg:$0x3]  }
0x130: {  	s0 =	sadd.s32 @!p0 $0x100000, s0  }
0x131: {  	[sflag:s0] =	ssyncadd.tile.s32 @!p0 $0x1;
	_ =	shalt  }
.Lfunc_end2:
_tile_overlayer_lowered:
.L_overlay_start_2:
0x132: {  	(tag) =	ssettag $0x2  }
0x133: {  	s0 =	rddreg [dreg:$0x0];
	s2 =	stileid.u32  }
0x134: {  	s1 =	rddreg [dreg:$0x1];
	p0 =	sne.s32 s2, $0x0  }
0x135: {  	s3 =	rddreg [dreg:$0x2];
	[bflag:$0x3] =	sbarrier.arrive $0xFFFF;
	s2 =	simm.s32 @!p0 $0x1C04  }
0x136: {  	[timem:s3], [sflag:s2] =	dma.local @!p0 [hbm:s0], s1  }
0x137: {  	s0 =	simm.s32 @!p0 $0x4  }
0x138: {  	_ =	swait.ge @!p0 [sflag:s0], s1  }
0x139: {  	s1 =	ssub.s32 @!p0 $0x0, s1;
	[sflag:s0] =	ssyncset.done @!p0 $0x0  }
0x13a: {  	[sflag:s0] =	ssyncadd.s32 @!p0 s1  }
0x13b: {  	[bflag:$0x3] =	sbarrier.arrive $0xFFFF  }
0x13c: {  	_ =	shalt  }

// kernel: kernel.7.cloned.1.call-start
scs
__scs_entry_jumppad:
0x0: {  	(pc) =	sbr.rel $0x88, $3  }
0x1: {  	(tag) =	ssettag $0x0;
	lr =	simm.s32 $0x1  }
0x2: {  	[smem:$0x3F9B] =	sst lr;
	_ =	strace $0xD0000000  }
0x3: {  	_ = 	snop  }
0x4: {  	_ = 	snop  }
0x5: {  	_ = 	snop  }
0x6: {  	_ = 	snop  }
0x7: {  	_ = 	snop  }
__scs_overlays_trampoline_lowered:
0x8: {  	[smem:$0x3FAA] =	sst s0  }
0x9: {  	[smem:$0x3FAB] =	sst s1  }
0xa: {  	[smem:$0x3FAC] =	sst s2  }
0xb: {  	[smem:$0x3FAD] =	sst s3  }
0xc: {  	[smem:$0x3FAE] =	sst s4  }
0xd: {  	[smem:$0x3FAF] =	sst s5  }
0xe: {  	[smem:$0x3FB0] =	sst s6  }
0xf: {  	[smem:$0x3FB1] =	sst s7  }
0x10: {  	[smem:$0x3FB2] =	sst s8  }
0x11: {  	[smem:$0x3FB3] =	sst s9;
	s0 =	simm.s32 @!p0 $0x0  }
0x12: {  	s1 =	sld [smem:$0x3F99];
	s0 =	simm.s32 @p0 $0x1  }
0x13: {  	[smem:$0x3FB4] =	sst s0;
	s0 =	simm.s32 @!p1 $0x0  }
0x14: {  	s2 =	sld [smem:$0x3F98];
	s0 =	simm.s32 @p1 $0x1  }
0x15: {  	[smem:$0x3FB5] =	sst s0;
	s0 =	simm.s32 @!p2 $0x0  }
0x16: {  	s3 =	sld [smem:$0x3FDB];
	s0 =	simm.s32 @p2 $0x1  }
0x17: {  	s4 =	simm.s32 $0x1BF5;
	[smem:$0x3FB7] =	sst s0  }
0x18: {  	s0 =	sld [smem:$0x3F9A];
	_ =	swait.ge [sflag:s4], $0x0  }
0x19: {  	s7 =	sld [smem:$0x3F9B]  }
0x1a: {  	s8 =	sadd.s32 $0xFFFFE003, lr  }
0x1b: {  	s9 =	sadd.s32 $0xFFFFFEF7, lr;
	s5 =	simm.s32 $0xFFFFFFFF;
	p2 =	slt.u32 s8, $0xFFFFF086  }
0x1c: {  	p1 =	slt.u32 s9, $0xF7A;
	s5 =	simm.s32 @!p2 $0x0  }
0x1d: {  	s5 =	simm.s32 @p1 $0x1;
	p0 =	seq.s32 s7, s2  }
0x1e: {  	s7 =	smul.u32 @!p0 $0xF7A, s2;
	p2 =	seq.s32 @!p0 s5, $0x0  }
0x1f: {  	s9 =	smul.u32 $0xF7A, s1;
	s8 =	simm.s32 @!p0 $0x1BF5;
	p2 =	por !p2, p0  }
0x20: {  	[sflag:s8] =	ssyncset.s32 @!p0 $0xFFFFF086;
	s6 =	sadd.s32 @!p0 s3, s7;
	s7 =	simm.s32 @!p0 $0x108  }
0x21: {  	s3 =	sadd.s32 s3, s9;
	s6 =	sadd.s32 @!p0 $0x88, s6;
	s7 =	simm.s32 @p2 $0x1082  }
0x22: {  	[simem:s7], [sflag:s8] =	dma.local @!p0 [hbm:s6], $0xF7A  }
0x23: {  	s9 =	sor.u32 $0xD0000000, s2;
	s6 =	simm.s32 $0x108;
	_ =	swait.ge @!p0 [sflag:s8], $0x0  }
0x24: {  	s3 =	sadd.s32 $0x88, s3;
	s6 =	simm.s32 @!p1 $0x1082;
	[sflag:s4] =	ssyncset.s32 $0xFFFFF086  }
0x25: {  	[simem:s6], [sflag:s4] =	dma.local [hbm:s3], $0xF7A  }
0x26: {  	[smem:$0x3F9B] =	sst s1;
	(tag) =	ssettag s2;
	_ =	strace s9  }
0x27: {  	s1 =	sld [smem:$0x3FAB]  }
0x28: {  	s2 =	sld [smem:$0x3FAC]  }
0x29: {  	s4 =	sld [smem:$0x3FAE]  }
0x2a: {  	p0 =	seq.s32 s5, $0x0;
	s5 =	sld [smem:$0x3FAF]  }
0x2b: {  	s6 =	sld [smem:$0x3FB0]  }
0x2c: {  	s7 =	sld [smem:$0x3FB1]  }
0x2d: {  	s3 =	simm.s32 $0x108;
	s8 =	sld [smem:$0x3FB2]  }
0x2e: {  	s3 =	simm.s32 @!p0 $0x1082;
	s9 =	sld [smem:$0x3FB3]  }
0x2f: {  	lr =	sadd.s32 s0, s3;
	s0 =	sld [smem:$0x3FAA]  }
0x30: {  	s3 =	sld [smem:$0x3FAD]  }
0x31: {  	[smem:$0x3FB6] =	sst s10  }
0x32: {  	s10 =	sld [smem:$0x3FB4];
	_ =	sdelay $0x3  }
0x33: {  	p0 =	seq.s32 s10, $0x1;
	s10 =	sld [smem:$0x3FB6];
	_ =	sdelay $0x3  }
0x34: {  	[smem:$0x3FB6] =	sst s10  }
0x35: {  	s10 =	sld [smem:$0x3FB5];
	_ =	sdelay $0x3  }
0x36: {  	p1 =	seq.s32 s10, $0x1;
	s10 =	sld [smem:$0x3FB6];
	_ =	sdelay $0x3  }
0x37: {  	[smem:$0x3FB6] =	sst s10  }
0x38: {  	s10 =	sld [smem:$0x3FB7]  }
0x39: {  	_ = 	snop;
	(pc) =	sbr.ind lr, $3  }
0x3a: {  	_ = 	snop  }
0x3b: {  	_ = 	snop  }
0x3c: {  	p2 =	seq.s32 s10, $0x1;
	s10 =	sld [smem:$0x3FB6]  }
0x3d: {  	_ =	shalt  }
0x3e: {  	_ =	shalt  }
0x3f: {  	_ =	shalt  }
0x40: {  	_ =	shalt  }
0x41: {  	_ =	shalt  }
0x42: {  	_ =	shalt  }
0x43: {  	_ =	shalt  }
0x44: {  	_ =	shalt  }
0x45: {  	_ =	shalt  }
0x46: {  	_ =	shalt  }
0x47: {  	_ =	shalt  }
0x48: {  	_ =	shalt  }
0x49: {  	_ =	shalt  }
0x4a: {  	_ =	shalt  }
0x4b: {  	_ =	shalt  }
0x4c: {  	_ =	shalt  }
0x4d: {  	_ =	shalt  }
0x4e: {  	_ =	shalt  }
0x4f: {  	_ =	shalt  }
0x50: {  	_ =	shalt  }
0x51: {  	_ =	shalt  }
0x52: {  	_ =	shalt  }
0x53: {  	_ =	shalt  }
0x54: {  	_ =	shalt  }
0x55: {  	_ =	shalt  }
0x56: {  	_ =	shalt  }
0x57: {  	_ =	shalt  }
0x58: {  	_ =	shalt  }
0x59: {  	_ =	shalt  }
0x5a: {  	_ =	shalt  }
0x5b: {  	_ =	shalt  }
0x5c: {  	_ =	shalt  }
0x5d: {  	_ =	shalt  }
0x5e: {  	_ =	shalt  }
0x5f: {  	_ =	shalt  }
0x60: {  	_ =	shalt  }
0x61: {  	_ =	shalt  }
0x62: {  	_ =	shalt  }
0x63: {  	_ =	shalt  }
0x64: {  	_ =	shalt  }
0x65: {  	_ =	shalt  }
0x66: {  	_ =	shalt  }
0x67: {  	_ =	shalt  }
0x68: {  	_ =	shalt  }
0x69: {  	_ =	shalt  }
0x6a: {  	_ =	shalt  }
0x6b: {  	_ =	shalt  }
0x6c: {  	_ =	shalt  }
0x6d: {  	_ =	shalt  }
0x6e: {  	_ =	shalt  }
0x6f: {  	_ =	shalt  }
0x70: {  	_ =	shalt  }
0x71: {  	_ =	shalt  }
0x72: {  	_ =	shalt  }
0x73: {  	_ =	shalt  }
0x74: {  	_ =	shalt  }
0x75: {  	_ =	shalt  }
0x76: {  	_ =	shalt  }
0x77: {  	_ =	shalt  }
0x78: {  	_ =	shalt  }
0x79: {  	_ =	shalt  }
0x7a: {  	_ =	shalt  }
0x7b: {  	_ =	shalt  }
0x7c: {  	_ =	shalt  }
0x7d: {  	_ =	shalt  }
0x7e: {  	_ =	shalt  }
0x7f: {  	_ =	shalt  }
0x80: {  	_ =	shalt  }
0x81: {  	_ =	shalt  }
0x82: {  	_ =	shalt  }
0x83: {  	_ =	shalt  }
0x84: {  	_ =	shalt  }
0x85: {  	_ =	shalt  }
0x86: {  	_ =	shalt  }
0x87: {  	_ =	shalt  }
.Lfunc_end0:
.L_simem_size_0:
called_computation_lowered:
.L_overlay_start_0:
0x88: {  	s2 =	sld [smem:$0x3FD9]  }
0x89: {  	s3 =	sld [smem:$0x3FFE];
	_ =	sdelay $0x1  }
0x8a: {  	s1 =	srdreg.scid  }
0x8b: {  	s0 =	sand.u32 $0x1, s1  }
0x8c: {  	s16 =	sshll.u32 s0, $0xA;
	s2 =	sadd.s32 s3, s2  }
0x8d: {  	s2 =	sadd.s32 s2, s16  }
0x8e: {  	[smem:$0x3FC2] =	sst s2  }
0x8f: {  	_ = 	snop  }
0x90: {  	(tm) =	ssettm $0x1  }
0x91: {  	s17 =	sld [smem:$0x3FFB];
	_ =	sdelay $0x3  }
0x92: {  	_ =	strace s17  }
0x93: {  	s2 =	sld [smem:$0x3FFC];
	_ =	sdelay $0x3  }
0x94: {  	_ =	strace s2  }
0x95: {  	s2 =	sld [smem:$0x3FFD];
	_ =	sdelay $0x3  }
0x96: {  	_ =	strace s2  }
0x97: {  	_ =	strace $0x8FFFFFFF  }
0x98: {  	s18 =	sld [smem:$0x3FDB];
	_ =	sdelay $0x1  }
0x99: {  	s19 =	simm.s32 $_scs_section_size  }
0x9a: {  	s4 =	simm.s32 $_size__tile_overlayer_lowered;
	s5 =	simm.s32 $_tile_overlayer_lowered  }
0x9b: {  	s22 =	simm.s32 $0x1BFF;
	s21 =	sshll.u32 s5, $0x1;
	s2 =	sadd.s32 s19, s18  }
0x9c: {  	s6 =	simm.s32 $0x0;
	s20 =	sshll.u32 s4, $0x1;
	s4 =	sadd.s32 s21, s2  }
0x9d: {  	[timem:s6], [sflag:s22] =	dma.local [hbm:s4], s20  }
0x9e: {  	_ =	swait.ge [sflag:s22], s20  }
0x9f: {  	s3 =	ssub.s32 $0x0, s20;
	[sflag:s22] =	ssyncset.done $0x0  }
0xa0: {  	[sflag:s22] =	ssyncadd.s32 s3;
	_ =	sdelay $0x1  }
0xa1: {  	s23 =	simm.s32 $0x1B8B  }
0xa2: {  	_ =	swait.ge [sflag:s23], $0x1  }
0xa3: {  	[sflag:s23] =	ssyncset.done $0x0  }
0xa4: {  	s25 =	simm.s32 $0x1B8E;
	s24 =	sld [smem:$0x3FFE];
	[sflag:s23] =	ssyncadd.s32 $0xFFFFFFFF  }
0xa5: {  	s26 =	simm.s32 $execute0_lowered;
	[smem:$0x3FD2] =	sst s25  }
0xa6: {  	s4 =	sshll.u32 s26, $0x1;
	_ =	strace $0x80000046;
	[dreg:$0x1] =	wrdreg $0xFFFFFFFF  }
0xa7: {  	s28 =	simm.s32 $_size_execute0_lowered;
	s2 =	sadd.s32 s2, s4;
	[dreg:$0x0] =	wrdreg $0x0  }
0xa8: {  	s4 =	sshll.u32 s28, $0x1;
	[dreg:$0x2] =	wrdreg s2  }
0xa9: {  	[dreg:$0x3] =	wrdreg s4  }
0xaa: {  	[dreg:$0x4] =	wrdreg $0xC0  }
0xab: {  	_ =	task [dreg:s6], $0x5FFFF  }
0xac: {  	[dreg:$0x1] =	wrdreg $0xFFFFFFFF  }
0xad: {  	[dreg:$0x0] =	wrdreg $0x60  }
0xae: {  	[dreg:$0x2] =	wrdreg s24  }
0xaf: {  	[dreg:$0x3] =	wrdreg $0x16B800  }
0xb0: {  	[dreg:$0x4] =	wrdreg $0x9  }
0xb1: {  	_ =	task.clear_ibuf [dreg:s6], $0x5FFFF;
	_ =	strace $0x90000046  }
0xb2: {  	s29 =	simm.s32 $0x9;
	_ =	strace $0x80000048  }
0xb3: {  	_ =	swait.ge [sflag:s29], $0x1  }
0xb4: {  	[sflag:s29] =	ssyncadd.s32 $0xFFFFFFFF  }
0xb5: {  	_ =	strace $0x90000048  }
0xb6: {  	_ =	sfence  }
0xb7: {  	s30 =	sld [smem:$0x0];
	_ =	sdelay $0x2  }
0xb8: {  	s31 =	sshll.u32 s1, $0xD;
	s1 =	sshrl.u32 s1, $0x2  }
0xb9: {  	s3 =	sand.u32 $0x4000, s31;
	s1 =	sadd.s32 s1, s30  }
0xba: {  	s0 =	sor.u32 s3, s0;
	s1 =	sshll.u32 s1, $0x11  }
0xbb: {  	s0 =	sor.u32 s1, s0  }
0xbc: {  	s0 =	sadd.s32 $0x8F2B, s0  }
0xbd: {  	[sflag:s0] =	ssyncadd.remote.s32 $0x1  }
0xbe: {  	_ =	sfence.sel $0xFFFF  }
0xbf: {  	[dreg:$0x0] =	wrdreg $0xFFFFFFFF;
	(pc) =	sbr.abs _section_cstart, $3  }
0xc0: {  	[dreg:$0x1] =	wrdreg $0xFFFFFFFF  }
0xc1: {  	_ =	task.clear_ibuf [dreg:s6], $0x2FFFF;
	_ =	strace $0x9FFFFFFF  }
0xc2: {  	(tm) =	ssettm $0x7FFFFFFF  }
0xc3: {  	_ =	shalt  }
tec
execute0_lowered:
.L_overlay_start_1:
0x0: {  	(tag) =	ssettag $0x1  }
0x1: {  	s4 =	rddreg [dreg:$0x0]  }
0x2: {  	s2 =	rddreg [dreg:$0x1]  }
0x3: {  	s0 =	srdreg.scid;
	s1 =	rddreg [dreg:$0x2];
	s3 =	simm.s32 $0x0  }
0x4: {  	s10 =	simm.s32 $0x80;
	s11 =	simm.s32 $0x2800;
	s5 =	sand.u32 $0x1, s0  }
0x5: {  	s12 =	simm.s32 $0x1;
	s0 =	stileid.u32;
	s6 =	smul.u32 $0x140000, s5  }
0x6: {  	s13 =	simm.s32 $0x2B80;
	s7 =	smul.u32 $0x14000, s0;
	s8 =	sshll.u32 s5, $0x4  }
0x7: {  	s14 =	simm.s32 $0x0;
	s31 =	smul.u32 $0xA00, s0;
	s8 =	sor.u32 s0, s8  }
0x8: {  	[smem:$0x7FF] =	sst s3;
	s5 =	ssub.s32 $0x2, s5;
	s30 =	smul.u32 $0x2800, s8  }
0x9: {  	_ =	strace $0x80000047;
	s9 =	sshrl.u32 s5, $0x1;
	s6 =	sadd.s32 s7, s6  }
0xa: {  	s8 =	sshrl.u32 s31, $0x2;
	s6 =	sshrl.u32 s6, $0x3;
	s7 =	sshrl.u32 s30, $0x3  }
0xb: {  	s9 =	ssub.s32 s5, s9;
	s6 =	sadd.s32 s6, s4;
	s7 =	sadd.s32 s4, s7  }
0xc: {  	s4 =	sadd.s32 s8, s2;
	s6 =	sadd.s32 $0x16600, s6;
	s8 =	simm.s32 $0x2880  }
0xd: {  	v0 =	vimm.f32 $0.0e+00;
	v1 =	vimm.f32 $1.000000000e+00;
	s5 =	sadd.s32 $0xC600, s7;
	s7 =	smax.u32 s9, $0x1;
	s9 =	simm.s32 $0x2  }
.LBB2_1:
0xe: {  	[tilespmem:$0x2880] =	vst v0  }
0xf: {  	[tilespmem:$0x2890] =	vst v0  }
0x10: {  	[tilespmem:$0x28A0] =	vst v0  }
0x11: {  	[tilespmem:$0x28B0] =	vst v0  }
0x12: {  	[tilespmem:$0x28C0] =	vst v0  }
0x13: {  	[tilespmem:$0x28D0] =	vst v0  }
0x14: {  	[tilespmem:$0x28E0] =	vst v0  }
0x15: {  	[tilespmem:$0x28F0] =	vst v0  }
0x16: {  	[tilespmem:$0x2900] =	vst v0  }
0x17: {  	[tilespmem:$0x2910] =	vst v0  }
0x18: {  	[tilespmem:$0x2920] =	vst v0  }
0x19: {  	[tilespmem:$0x2930] =	vst v0  }
0x1a: {  	[tilespmem:$0x2940] =	vst v0  }
0x1b: {  	[tilespmem:$0x2950] =	vst v0  }
0x1c: {  	[tilespmem:$0x2960] =	vst v0  }
0x1d: {  	[tilespmem:$0x2970] =	vst v0  }
0x1e: {  	[tilespmem:$0x2980] =	vst v0  }
0x1f: {  	[tilespmem:$0x2990] =	vst v0  }
0x20: {  	[tilespmem:$0x29A0] =	vst v0  }
0x21: {  	[tilespmem:$0x29B0] =	vst v0  }
0x22: {  	[tilespmem:$0x29C0] =	vst v0  }
0x23: {  	[tilespmem:$0x29D0] =	vst v0  }
0x24: {  	[tilespmem:$0x29E0] =	vst v0  }
0x25: {  	[tilespmem:$0x29F0] =	vst v0  }
0x26: {  	[tilespmem:$0x2A00] =	vst v0  }
0x27: {  	[tilespmem:$0x2A10] =	vst v0  }
0x28: {  	[tilespmem:$0x2A20] =	vst v0  }
0x29: {  	[tilespmem:$0x2A30] =	vst v0  }
0x2a: {  	[tilespmem:$0x2A40] =	vst v0  }
0x2b: {  	[tilespmem:$0x2A50] =	vst v0  }
0x2c: {  	[tilespmem:$0x2A60] =	vst v0  }
0x2d: {  	[tilespmem:$0x2A70] =	vst v0  }
0x2e: {  	[tilespmem:$0x2A80] =	vst v0  }
0x2f: {  	[tilespmem:$0x2A90] =	vst v0  }
0x30: {  	[tilespmem:$0x2AA0] =	vst v0  }
0x31: {  	[tilespmem:$0x2AB0] =	vst v0  }
0x32: {  	[tilespmem:$0x2AC0] =	vst v0  }
0x33: {  	[tilespmem:$0x2AD0] =	vst v0  }
0x34: {  	[tilespmem:$0x2AE0] =	vst v0  }
0x35: {  	[tilespmem:$0x2AF0] =	vst v0  }
0x36: {  	[tilespmem:$0x2B00] =	vst v0  }
0x37: {  	[tilespmem:$0x2800] =	vst v1  }
0x38: {  	[tilespmem:$0x2810] =	vst v1  }
0x39: {  	[tilespmem:$0x2820] =	vst v1  }
0x3a: {  	[tilespmem:$0x2830] =	vst v1  }
0x3b: {  	[tilespmem:$0x2840] =	vst v1  }
0x3c: {  	[tilespmem:$0x2850] =	vst v1  }
0x3d: {  	[tilespmem:$0x2860] =	vst v1  }
0x3e: {  	[tilespmem:$0x2870] =	vst v1  }
0x3f: {  	[spmem:s4] =	stream.linear.scatter [tilespmem:s8], [sflag:$0x2], $0x280, $0x38;
	[tilespmem:$0x16E00] =	vst v63  }
0x40: {  	_ =	swait.ge [sflag:s9], $0x280  }
0x41: {  	[sflag:s9] =	ssyncset.done $0x0  }
0x42: {  	[sflag:s9] =	ssyncadd.s32 $0xFFFFFD80  }
0x43: {  	[bflag:$0x0] =	sbarrier.arrive $0xFFFF  }
0x44: {  	[tilespmem:s3], [sflag:$0x2] =	stream.linear.gather [hbm4b:s5+s3], $0x2800, $0x38;
	[tilespmem:$0x16E00] =	vst v63  }
0x45: {  	_ =	swait.ge [sflag:s9], $0x2800  }
0x46: {  	[sflag:s9] =	ssyncset.done $0x0  }
0x47: {  	s15 =	simm.s32 $0x0;
	[sflag:s9] =	ssyncadd.s32 $0xFFFFD800  }
0x48: {  	[spmem:s2] =	stream.indirect.scatter.add.f32 [tilespmem:s11], [sflag:$0x1], $0x1, s15, s10, $0xb8;
	[tilespmem:$0x16E00] =	vst v63  }
0x49: {  	s16 =	simm.s32 $0x80  }
0x4a: {  	[spmem:s2] =	stream.indirect.scatter.add.f32 [tilespmem:s11], [sflag:$0x1], $0x1, s16, s10, $0xb8;
	[tilespmem:$0x16E00] =	vst v63  }
0x4b: {  	s17 =	simm.s32 $0x100  }
0x4c: {  	[spmem:s2] =	stream.indirect.scatter.add.f32 [tilespmem:s11], [sflag:$0x1], $0x1, s17, s10, $0xb8;
	[tilespmem:$0x16E00] =	vst v63  }
0x4d: {  	s18 =	simm.s32 $0x180  }
0x4e: {  	[spmem:s2] =	stream.indirect.scatter.add.f32 [tilespmem:s11], [sflag:$0x1], $0x1, s18, s10, $0xb8;
	[tilespmem:$0x16E00] =	vst v63  }
0x4f: {  	s19 =	simm.s32 $0x200  }
0x50: {  	[spmem:s2] =	stream.indirect.scatter.add.f32 [tilespmem:s11], [sflag:$0x1], $0x1, s19, s10, $0xb8;
	[tilespmem:$0x16E00] =	vst v63  }
0x51: {  	s20 =	simm.s32 $0x280  }
0x52: {  	[spmem:s2] =	stream.indirect.scatter.add.f32 [tilespmem:s11], [sflag:$0x1], $0x1, s20, s10, $0xb8;
	[tilespmem:$0x16E00] =	vst v63  }
0x53: {  	s21 =	simm.s32 $0x300  }
0x54: {  	[spmem:s2] =	stream.indirect.scatter.add.f32 [tilespmem:s11], [sflag:$0x1], $0x1, s21, s10, $0xb8;
	[tilespmem:$0x16E00] =	vst v63  }
0x55: {  	s22 =	simm.s32 $0x380  }
0x56: {  	[spmem:s2] =	stream.indirect.scatter.add.f32 [tilespmem:s11], [sflag:$0x1], $0x1, s22, s10, $0xb8;
	[tilespmem:$0x16E00] =	vst v63  }
0x57: {  	s23 =	simm.s32 $0x400  }
0x58: {  	[spmem:s2] =	stream.indirect.scatter.add.f32 [tilespmem:s11], [sflag:$0x1], $0x1, s23, s10, $0xb8;
	[tilespmem:$0x16E00] =	vst v63  }
0x59: {  	s24 =	simm.s32 $0x480  }
0x5a: {  	[spmem:s2] =	stream.indirect.scatter.add.f32 [tilespmem:s11], [sflag:$0x1], $0x1, s24, s10, $0xb8;
	[tilespmem:$0x16E00] =	vst v63  }
0x5b: {  	s25 =	simm.s32 $0x500  }
0x5c: {  	[spmem:s2] =	stream.indirect.scatter.add.f32 [tilespmem:s11], [sflag:$0x1], $0x1, s25, s10, $0xb8;
	[tilespmem:$0x16E00] =	vst v63  }
0x5d: {  	s26 =	simm.s32 $0x580  }
0x5e: {  	[spmem:s2] =	stream.indirect.scatter.add.f32 [tilespmem:s11], [sflag:$0x1], $0x1, s26, s10, $0xb8;
	[tilespmem:$0x16E00] =	vst v63  }
0x5f: {  	s28 =	simm.s32 $0x600  }
0x60: {  	[spmem:s2] =	stream.indirect.scatter.add.f32 [tilespmem:s11], [sflag:$0x1], $0x1, s28, s10, $0xb8;
	[tilespmem:$0x16E00] =	vst v63  }
0x61: {  	s29 =	simm.s32 $0x680  }
0x62: {  	[spmem:s2] =	stream.indirect.scatter.add.f32 [tilespmem:s11], [sflag:$0x1], $0x1, s29, s10, $0xb8;
	[tilespmem:$0x16E00] =	vst v63  }
0x63: {  	s30 =	simm.s32 $0x700  }
0x64: {  	[spmem:s2] =	stream.indirect.scatter.add.f32 [tilespmem:s11], [sflag:$0x1], $0x1, s30, s10, $0xb8;
	[tilespmem:$0x16E00] =	vst v63  }
0x65: {  	s31 =	simm.s32 $0x780  }
0x66: {  	[spmem:s2] =	stream.indirect.scatter.add.f32 [tilespmem:s11], [sflag:$0x1], $0x1, s31, s10, $0xb8;
	[tilespmem:$0x16E00] =	vst v63  }
0x67: {  	_ =	swait.ge [sflag:s12], $0x80  }
0x68: {  	[sflag:s12] =	ssyncset.done $0x0  }
0x69: {  	[sflag:s12] =	ssyncadd.s32 $0xFFFFFF80  }
0x6a: {  	_ =	swait.ge [sflag:s12], $0x80  }
0x6b: {  	[sflag:s12] =	ssyncset.done $0x0  }
0x6c: {  	[sflag:s12] =	ssyncadd.s32 $0xFFFFFF80  }
0x6d: {  	_ =	swait.ge [sflag:s12], $0x80  }
0x6e: {  	[sflag:s12] =	ssyncset.done $0x0  }
0x6f: {  	[sflag:s12] =	ssyncadd.s32 $0xFFFFFF80  }
0x70: {  	_ =	swait.ge [sflag:s12], $0x80  }
0x71: {  	[sflag:s12] =	ssyncset.done $0x0  }
0x72: {  	[sflag:s12] =	ssyncadd.s32 $0xFFFFFF80  }
0x73: {  	_ =	swait.ge [sflag:s12], $0x80  }
0x74: {  	[sflag:s12] =	ssyncset.done $0x0  }
0x75: {  	[sflag:s12] =	ssyncadd.s32 $0xFFFFFF80  }
0x76: {  	_ =	swait.ge [sflag:s12], $0x80  }
0x77: {  	[sflag:s12] =	ssyncset.done $0x0  }
0x78: {  	[sflag:s12] =	ssyncadd.s32 $0xFFFFFF80  }
0x79: {  	_ =	swait.ge [sflag:s12], $0x80  }
0x7a: {  	[sflag:s12] =	ssyncset.done $0x0  }
0x7b: {  	[sflag:s12] =	ssyncadd.s32 $0xFFFFFF80  }
0x7c: {  	_ =	swait.ge [sflag:s12], $0x80  }
0x7d: {  	[sflag:s12] =	ssyncset.done $0x0  }
0x7e: {  	[sflag:s12] =	ssyncadd.s32 $0xFFFFFF80  }
0x7f: {  	_ =	swait.ge [sflag:s12], $0x80  }
0x80: {  	[sflag:s12] =	ssyncset.done $0x0  }
0x81: {  	[sflag:s12] =	ssyncadd.s32 $0xFFFFFF80  }
0x82: {  	_ =	swait.ge [sflag:s12], $0x80  }
0x83: {  	[sflag:s12] =	ssyncset.done $0x0  }
0x84: {  	[sflag:s12] =	ssyncadd.s32 $0xFFFFFF80  }
0x85: {  	_ =	swait.ge [sflag:s12], $0x80  }
0x86: {  	[sflag:s12] =	ssyncset.done $0x0  }
0x87: {  	[sflag:s12] =	ssyncadd.s32 $0xFFFFFF80  }
0x88: {  	_ =	swait.ge [sflag:s12], $0x80  }
0x89: {  	[sflag:s12] =	ssyncset.done $0x0  }
0x8a: {  	[sflag:s12] =	ssyncadd.s32 $0xFFFFFF80  }
0x8b: {  	_ =	swait.ge [sflag:s12], $0x80  }
0x8c: {  	[sflag:s12] =	ssyncset.done $0x0  }
0x8d: {  	[sflag:s12] =	ssyncadd.s32 $0xFFFFFF80  }
0x8e: {  	_ =	swait.ge [sflag:s12], $0x80  }
0x8f: {  	[sflag:s12] =	ssyncset.done $0x0  }
0x90: {  	[sflag:s12] =	ssyncadd.s32 $0xFFFFFF80  }
0x91: {  	_ =	swait.ge [sflag:s12], $0x80  }
0x92: {  	[sflag:s12] =	ssyncset.done $0x0  }
0x93: {  	[sflag:s12] =	ssyncadd.s32 $0xFFFFFF80  }
0x94: {  	_ =	swait.ge [sflag:s12], $0x80  }
0x95: {  	s15 =	simm.s32 $0x2000;
	s18 =	simm.s32 $0x4000;
	[sflag:s12] =	ssyncset.done $0x0  }
.LBB2_2:
0x96: {  	s17 =	sshra.s32 s15, $0x2  }
0x97: {  	[sflag:s12] =	ssyncadd.s32 $0xFFFFFF80;
	s15 =	smov.u32 s18;
	s16 =	sadd.s32 $0x2000, s18  }
0x98: {  	[spmem:s2] =	stream.indirect.scatter.add.f32 [tilespmem:s11], [sflag:$0x1], $0x1, s17, s10, $0xb8;
	[tilespmem:$0x16E00] =	vst v63  }
0x99: {  	p0 =	sne.s32 s18, $0x8000;
	s18 =	sadd.s32 $0x80, s17  }
0x9a: {  	[spmem:s2] =	stream.indirect.scatter.add.f32 [tilespmem:s11], [sflag:$0x1], $0x1, s18, s10, $0xb8;
	[tilespmem:$0x16E00] =	vst v63  }
0x9b: {  	s18 =	sadd.s32 $0x100, s17  }
0x9c: {  	[spmem:s2] =	stream.indirect.scatter.add.f32 [tilespmem:s11], [sflag:$0x1], $0x1, s18, s10, $0xb8;
	[tilespmem:$0x16E00] =	vst v63  }
0x9d: {  	s18 =	sadd.s32 $0x180, s17  }
0x9e: {  	[spmem:s2] =	stream.indirect.scatter.add.f32 [tilespmem:s11], [sflag:$0x1], $0x1, s18, s10, $0xb8;
	[tilespmem:$0x16E00] =	vst v63  }
0x9f: {  	s18 =	sadd.s32 $0x200, s17  }
0xa0: {  	[spmem:s2] =	stream.indirect.scatter.add.f32 [tilespmem:s11], [sflag:$0x1], $0x1, s18, s10, $0xb8;
	[tilespmem:$0x16E00] =	vst v63  }
0xa1: {  	s18 =	sadd.s32 $0x280, s17  }
0xa2: {  	[spmem:s2] =	stream.indirect.scatter.add.f32 [tilespmem:s11], [sflag:$0x1], $0x1, s18, s10, $0xb8;
	[tilespmem:$0x16E00] =	vst v63  }
0xa3: {  	s18 =	sadd.s32 $0x300, s17  }
0xa4: {  	[spmem:s2] =	stream.indirect.scatter.add.f32 [tilespmem:s11], [sflag:$0x1], $0x1, s18, s10, $0xb8;
	[tilespmem:$0x16E00] =	vst v63  }
0xa5: {  	s18 =	sadd.s32 $0x380, s17  }
0xa6: {  	[spmem:s2] =	stream.indirect.scatter.add.f32 [tilespmem:s11], [sflag:$0x1], $0x1, s18, s10, $0xb8;
	[tilespmem:$0x16E00] =	vst v63  }
0xa7: {  	s18 =	sadd.s32 $0x400, s17  }
0xa8: {  	[spmem:s2] =	stream.indirect.scatter.add.f32 [tilespmem:s11], [sflag:$0x1], $0x1, s18, s10, $0xb8;
	[tilespmem:$0x16E00] =	vst v63  }
0xa9: {  	s18 =	sadd.s32 $0x480, s17  }
0xaa: {  	[spmem:s2] =	stream.indirect.scatter.add.f32 [tilespmem:s11], [sflag:$0x1], $0x1, s18, s10, $0xb8;
	[tilespmem:$0x16E00] =	vst v63  }
0xab: {  	s18 =	sadd.s32 $0x500, s17  }
0xac: {  	[spmem:s2] =	stream.indirect.scatter.add.f32 [tilespmem:s11], [sflag:$0x1], $0x1, s18, s10, $0xb8;
	[tilespmem:$0x16E00] =	vst v63  }
0xad: {  	s18 =	sadd.s32 $0x580, s17  }
0xae: {  	[spmem:s2] =	stream.indirect.scatter.add.f32 [tilespmem:s11], [sflag:$0x1], $0x1, s18, s10, $0xb8;
	[tilespmem:$0x16E00] =	vst v63  }
0xaf: {  	s18 =	sadd.s32 $0x600, s17  }
0xb0: {  	[spmem:s2] =	stream.indirect.scatter.add.f32 [tilespmem:s11], [sflag:$0x1], $0x1, s18, s10, $0xb8;
	[tilespmem:$0x16E00] =	vst v63  }
0xb1: {  	s18 =	sadd.s32 $0x680, s17  }
0xb2: {  	[spmem:s2] =	stream.indirect.scatter.add.f32 [tilespmem:s11], [sflag:$0x1], $0x1, s18, s10, $0xb8;
	[tilespmem:$0x16E00] =	vst v63  }
0xb3: {  	s18 =	sadd.s32 $0x700, s17  }
0xb4: {  	[spmem:s2] =	stream.indirect.scatter.add.f32 [tilespmem:s11], [sflag:$0x1], $0x1, s18, s10, $0xb8;
	[tilespmem:$0x16E00] =	vst v63  }
0xb5: {  	s17 =	sadd.s32 $0x780, s17  }
0xb6: {  	[spmem:s2] =	stream.indirect.scatter.add.f32 [tilespmem:s11], [sflag:$0x1], $0x1, s17, s10, $0xb8;
	[tilespmem:$0x16E00] =	vst v63  }
0xb7: {  	_ =	swait.ge [sflag:s12], $0x80  }
0xb8: {  	[sflag:s12] =	ssyncset.done $0x0  }
0xb9: {  	[sflag:s12] =	ssyncadd.s32 $0xFFFFFF80  }
0xba: {  	_ =	swait.ge [sflag:s12], $0x80  }
0xbb: {  	[sflag:s12] =	ssyncset.done $0x0  }
0xbc: {  	[sflag:s12] =	ssyncadd.s32 $0xFFFFFF80  }
0xbd: {  	_ =	swait.ge [sflag:s12], $0x80  }
0xbe: {  	[sflag:s12] =	ssyncset.done $0x0  }
0xbf: {  	[sflag:s12] =	ssyncadd.s32 $0xFFFFFF80  }
0xc0: {  	_ =	swait.ge [sflag:s12], $0x80  }
0xc1: {  	[sflag:s12] =	ssyncset.done $0x0  }
0xc2: {  	[sflag:s12] =	ssyncadd.s32 $0xFFFFFF80  }
0xc3: {  	_ =	swait.ge [sflag:s12], $0x80  }
0xc4: {  	[sflag:s12] =	ssyncset.done $0x0  }
0xc5: {  	[sflag:s12] =	ssyncadd.s32 $0xFFFFFF80  }
0xc6: {  	_ =	swait.ge [sflag:s12], $0x80  }
0xc7: {  	[sflag:s12] =	ssyncset.done $0x0  }
0xc8: {  	[sflag:s12] =	ssyncadd.s32 $0xFFFFFF80  }
0xc9: {  	_ =	swait.ge [sflag:s12], $0x80  }
0xca: {  	[sflag:s12] =	ssyncset.done $0x0  }
0xcb: {  	[sflag:s12] =	ssyncadd.s32 $0xFFFFFF80  }
0xcc: {  	_ =	swait.ge [sflag:s12], $0x80  }
0xcd: {  	[sflag:s12] =	ssyncset.done $0x0  }
0xce: {  	[sflag:s12] =	ssyncadd.s32 $0xFFFFFF80  }
0xcf: {  	_ =	swait.ge [sflag:s12], $0x80  }
0xd0: {  	[sflag:s12] =	ssyncset.done $0x0  }
0xd1: {  	[sflag:s12] =	ssyncadd.s32 $0xFFFFFF80  }
0xd2: {  	_ =	swait.ge [sflag:s12], $0x80  }
0xd3: {  	[sflag:s12] =	ssyncset.done $0x0  }
0xd4: {  	[sflag:s12] =	ssyncadd.s32 $0xFFFFFF80  }
0xd5: {  	_ =	swait.ge [sflag:s12], $0x80  }
0xd6: {  	[sflag:s12] =	ssyncset.done $0x0  }
0xd7: {  	[sflag:s12] =	ssyncadd.s32 $0xFFFFFF80  }
0xd8: {  	_ =	swait.ge [sflag:s12], $0x80  }
0xd9: {  	[sflag:s12] =	ssyncset.done $0x0  }
0xda: {  	[sflag:s12] =	ssyncadd.s32 $0xFFFFFF80  }
0xdb: {  	_ =	swait.ge [sflag:s12], $0x80  }
0xdc: {  	[sflag:s12] =	ssyncset.done $0x0  }
0xdd: {  	[sflag:s12] =	ssyncadd.s32 $0xFFFFFF80  }
0xde: {  	_ =	swait.ge [sflag:s12], $0x80  }
0xdf: {  	[sflag:s12] =	ssyncset.done $0x0  }
0xe0: {  	[sflag:s12] =	ssyncadd.s32 $0xFFFFFF80  }
.Ltmp0:
0xe1: {  	_ =	swait.ge [sflag:s12], $0x80;
	(pc) =	sbr.rel @p0 .LBB2_2-.Ltmp0, $4  }
0xe2: {  	[sflag:s12] =	ssyncset.done $0x0  }
0xe3: {  	[sflag:s12] =	ssyncadd.s32 $0xFFFFFF80  }
0xe4: {  	_ =	swait.ge [sflag:s12], $0x80  }
0xe5: {  	s18 =	smov.u32 s16;
	[sflag:s12] =	ssyncset.done $0x0  }
0xe6: {  	s15 =	sshra.s32 s15, $0x2;
	[sflag:s12] =	ssyncadd.s32 $0xFFFFFF80  }
0xe7: {  	[spmem:s2] =	stream.indirect.scatter.add.f32 [tilespmem:s11], [sflag:$0x1], $0x1, s15, s10, $0xb8;
	[tilespmem:$0x16E00] =	vst v63  }
0xe8: {  	s16 =	sadd.s32 $0x80, s15  }
0xe9: {  	[spmem:s2] =	stream.indirect.scatter.add.f32 [tilespmem:s11], [sflag:$0x1], $0x1, s16, s10, $0xb8;
	[tilespmem:$0x16E00] =	vst v63  }
0xea: {  	s18 =	sadd.s32 $0x100, s15  }
0xeb: {  	[spmem:s2] =	stream.indirect.scatter.add.f32 [tilespmem:s11], [sflag:$0x1], $0x1, s18, s10, $0xb8;
	[tilespmem:$0x16E00] =	vst v63  }
0xec: {  	s19 =	sadd.s32 $0x180, s15  }
0xed: {  	[spmem:s2] =	stream.indirect.scatter.add.f32 [tilespmem:s11], [sflag:$0x1], $0x1, s19, s10, $0xb8;
	[tilespmem:$0x16E00] =	vst v63  }
0xee: {  	s20 =	sadd.s32 $0x200, s15  }
0xef: {  	[spmem:s2] =	stream.indirect.scatter.add.f32 [tilespmem:s11], [sflag:$0x1], $0x1, s20, s10, $0xb8;
	[tilespmem:$0x16E00] =	vst v63  }
0xf0: {  	s21 =	sadd.s32 $0x280, s15  }
0xf1: {  	[spmem:s2] =	stream.indirect.scatter.add.f32 [tilespmem:s11], [sflag:$0x1], $0x1, s21, s10, $0xb8;
	[tilespmem:$0x16E00] =	vst v63  }
0xf2: {  	s22 =	sadd.s32 $0x300, s15  }
0xf3: {  	[spmem:s2] =	stream.indirect.scatter.add.f32 [tilespmem:s11], [sflag:$0x1], $0x1, s22, s10, $0xb8;
	[tilespmem:$0x16E00] =	vst v63  }
0xf4: {  	s23 =	sadd.s32 $0x380, s15  }
0xf5: {  	[spmem:s2] =	stream.indirect.scatter.add.f32 [tilespmem:s11], [sflag:$0x1], $0x1, s23, s10, $0xb8;
	[tilespmem:$0x16E00] =	vst v63  }
0xf6: {  	s24 =	sadd.s32 $0x400, s15  }
0xf7: {  	[spmem:s2] =	stream.indirect.scatter.add.f32 [tilespmem:s11], [sflag:$0x1], $0x1, s24, s10, $0xb8;
	[tilespmem:$0x16E00] =	vst v63  }
0xf8: {  	s25 =	sadd.s32 $0x480, s15  }
0xf9: {  	[spmem:s2] =	stream.indirect.scatter.add.f32 [tilespmem:s11], [sflag:$0x1], $0x1, s25, s10, $0xb8;
	[tilespmem:$0x16E00] =	vst v63  }
0xfa: {  	s26 =	sadd.s32 $0x500, s15  }
0xfb: {  	[spmem:s2] =	stream.indirect.scatter.add.f32 [tilespmem:s11], [sflag:$0x1], $0x1, s26, s10, $0xb8;
	[tilespmem:$0x16E00] =	vst v63  }
0xfc: {  	s28 =	sadd.s32 $0x580, s15  }
0xfd: {  	[spmem:s2] =	stream.indirect.scatter.add.f32 [tilespmem:s11], [sflag:$0x1], $0x1, s28, s10, $0xb8;
	[tilespmem:$0x16E00] =	vst v63  }
0xfe: {  	s29 =	sadd.s32 $0x600, s15  }
0xff: {  	[spmem:s2] =	stream.indirect.scatter.add.f32 [tilespmem:s11], [sflag:$0x1], $0x1, s29, s10, $0xb8;
	[tilespmem:$0x16E00] =	vst v63  }
0x100: {  	s30 =	sadd.s32 $0x680, s15  }
0x101: {  	[spmem:s2] =	stream.indirect.scatter.add.f32 [tilespmem:s11], [sflag:$0x1], $0x1, s30, s10, $0xb8;
	[tilespmem:$0x16E00] =	vst v63  }
0x102: {  	s31 =	sadd.s32 $0x700, s15  }
0x103: {  	[spmem:s2] =	stream.indirect.scatter.add.f32 [tilespmem:s11], [sflag:$0x1], $0x1, s31, s10, $0xb8;
	[tilespmem:$0x16E00] =	vst v63  }
0x104: {  	s15 =	sadd.s32 $0x780, s15  }
0x105: {  	[spmem:s2] =	stream.indirect.scatter.add.f32 [tilespmem:s11], [sflag:$0x1], $0x1, s15, s10, $0xb8;
	[tilespmem:$0x16E00] =	vst v63  }
0x106: {  	_ =	swait.ge [sflag:s12], $0x80  }
0x107: {  	[sflag:s12] =	ssyncset.done $0x0  }
0x108: {  	[sflag:s12] =	ssyncadd.s32 $0xFFFFFF80  }
0x109: {  	_ =	swait.ge [sflag:s12], $0x80  }
0x10a: {  	[sflag:s12] =	ssyncset.done $0x0  }
0x10b: {  	[sflag:s12] =	ssyncadd.s32 $0xFFFFFF80  }
0x10c: {  	_ =	swait.ge [sflag:s12], $0x80  }
0x10d: {  	[sflag:s12] =	ssyncset.done $0x0  }
0x10e: {  	[sflag:s12] =	ssyncadd.s32 $0xFFFFFF80  }
0x10f: {  	_ =	swait.ge [sflag:s12], $0x80  }
0x110: {  	[sflag:s12] =	ssyncset.done $0x0  }
0x111: {  	[sflag:s12] =	ssyncadd.s32 $0xFFFFFF80  }
0x112: {  	_ =	swait.ge [sflag:s12], $0x80  }
0x113: {  	[sflag:s12] =	ssyncset.done $0x0  }
0x114: {  	[sflag:s12] =	ssyncadd.s32 $0xFFFFFF80  }
0x115: {  	_ =	swait.ge [sflag:s12], $0x80  }
0x116: {  	[sflag:s12] =	ssyncset.done $0x0  }
0x117: {  	[sflag:s12] =	ssyncadd.s32 $0xFFFFFF80  }
0x118: {  	_ =	swait.ge [sflag:s12], $0x80  }
0x119: {  	[sflag:s12] =	ssyncset.done $0x0  }
0x11a: {  	[sflag:s12] =	ssyncadd.s32 $0xFFFFFF80  }
0x11b: {  	_ =	swait.ge [sflag:s12], $0x80  }
0x11c: {  	[sflag:s12] =	ssyncset.done $0x0  }
0x11d: {  	[sflag:s12] =	ssyncadd.s32 $0xFFFFFF80  }
0x11e: {  	_ =	swait.ge [sflag:s12], $0x80  }
0x11f: {  	[sflag:s12] =	ssyncset.done $0x0  }
0x120: {  	[sflag:s12] =	ssyncadd.s32 $0xFFFFFF80  }
0x121: {  	_ =	swait.ge [sflag:s12], $0x80  }
0x122: {  	[sflag:s12] =	ssyncset.done $0x0  }
0x123: {  	[sflag:s12] =	ssyncadd.s32 $0xFFFFFF80  }
0x124: {  	_ =	swait.ge [sflag:s12], $0x80  }
0x125: {  	[sflag:s12] =	ssyncset.done $0x0  }
0x126: {  	[sflag:s12] =	ssyncadd.s32 $0xFFFFFF80  }
0x127: {  	_ =	swait.ge [sflag:s12], $0x80  }
0x128: {  	[sflag:s12] =	ssyncset.done $0x0  }
0x129: {  	[sflag:s12] =	ssyncadd.s32 $0xFFFFFF80  }
0x12a: {  	_ =	swait.ge [sflag:s12], $0x80  }
0x12b: {  	[sflag:s12] =	ssyncset.done $0x0  }
0x12c: {  	[sflag:s12] =	ssyncadd.s32 $0xFFFFFF80  }
0x12d: {  	_ =	swait.ge [sflag:s12], $0x80  }
0x12e: {  	[sflag:s12] =	ssyncset.done $0x0  }
0x12f: {  	[sflag:s12] =	ssyncadd.s32 $0xFFFFFF80  }
0x130: {  	_ =	swait.ge [sflag:s12], $0x80  }
0x131: {  	[sflag:s12] =	ssyncset.done $0x0  }
0x132: {  	[sflag:s12] =	ssyncadd.s32 $0xFFFFFF80  }
0x133: {  	_ =	swait.ge [sflag:s12], $0x80  }
0x134: {  	[sflag:s12] =	ssyncset.done $0x0  }
0x135: {  	[sflag:s12] =	ssyncadd.s32 $0xFFFFFF80  }
0x136: {  	[bflag:$0x0] =	sbarrier.arrive $0xFFFF  }
0x137: {  	[tilespmem:s8], [sflag:$0x2] =	stream.linear.gather [spmem:s4], $0x280, $0x38;
	[tilespmem:$0x16E00] =	vst v63  }
0x138: {  	_ =	swait.ge [sflag:s9], $0x280  }
0x139: {  	[sflag:s9] =	ssyncset.done $0x0  }
0x13a: {  	s17 =	simm.s32 $0x0;
	[sflag:s9] =	ssyncadd.s32 $0xFFFFFD80  }
0x13b: {  	v2 =	vld [tilespmem:s17+$0x2880];
	_ =	sdelay $0x3  }
0x13c: {  	s16 =	simm.s32 $0x4;
	s15 =	simm.s32 $0x2B80  }
.LBB2_4:
0x13d: {  	s17 =	sshra.s32 s16, $0x2;
	p0 =	sne.s32 s16, $0x9FC;
	s16 =	sadd.s32 $0x4, s16;
	[tilespmem:s15+$0x0] =	vst v2  }
.Ltmp1:
0x13e: {  	v2 =	vld [tilespmem:s17+$0x2880];
	(pc) =	sbr.rel @p0 .LBB2_4-.Ltmp1, $2  }
0x13f: {  	_ =	sdelay $0x2  }
0x140: {  	s15 =	sadd.s32 $0x80, s15  }
0x141: {  	s14 =	sadd.s32 $0x1, s14  }
0x142: {  	p0 =	sne.s32 s14, s7  }
.Ltmp2:
0x143: {  	[tilespmem:s15+$0x0] =	vst v2;
	(pc) =	sbr.rel @p0 .LBB2_1-.Ltmp2, $4  }
0x144: {  	[hbm4b:s6+s3] =	stream.linear.scatter [tilespmem:s13], [sflag:$0x2], $0x14000, $0x38;
	[tilespmem:$0x16E00] =	vst v63  }
0x145: {  	_ =	swait.ge [sflag:s9], $0x14000  }
0x146: {  	[sflag:s9] =	ssyncset.done $0x0  }
0x147: {  	[sflag:s9] =	ssyncadd.s32 $0xFFFEC000  }
0x148: {  	_ =	sfence.sel $0x180000  }
0x149: {  	[bflag:$0x0] =	sbarrier.arrive $0xFFFF  }
0x14a: {  	p0 =	sne.s32 s0, $0x0;
	_ =	strace $0x90000047  }
0x14b: {  	s0 =	sadd.s32 @!p0 $0x100000, s1;
	[bflag:$0x2] =	sbarrier.arrive $0xFFFF  }
0x14c: {  	[sflag:s0] =	ssyncadd.tile.s32 @!p0 $0x1;
	_ =	shalt  }
.Lfunc_end2:
_tile_overlayer_lowered:
.L_overlay_start_2:
0x14d: {  	(tag) =	ssettag $0x2  }
0x14e: {  	s0 =	rddreg [dreg:$0x0];
	s2 =	stileid.u32  }
0x14f: {  	s1 =	rddreg [dreg:$0x1];
	p0 =	sne.s32 s2, $0x0  }
0x150: {  	s3 =	rddreg [dreg:$0x2];
	[bflag:$0x3] =	sbarrier.arrive $0xFFFF;
	s2 =	simm.s32 @!p0 $0x1C02  }
0x151: {  	[timem:s3], [sflag:s2] =	dma.local @!p0 [hbm:s0], s1  }
0x152: {  	s0 =	simm.s32 @!p0 $0x2  }
0x153: {  	_ =	swait.ge @!p0 [sflag:s0], s1  }
0x154: {  	s1 =	ssub.s32 @!p0 $0x0, s1;
	[sflag:s0] =	ssyncset.done @!p0 $0x0  }
0x155: {  	[sflag:s0] =	ssyncadd.s32 @!p0 s1  }
0x156: {  	[bflag:$0x3] =	sbarrier.arrive $0xFFFF  }
0x157: {  	_ =	shalt  }

</sc_bundles>
